<compile_context>
chip_gen: v7x
topology: tpu7x:2x2x1
jax: 0.10.2.dev20260603
libtpu: 0.0.44.dev20260713+nightly
codegen_flags: <defaults>
</compile_context>

<pallas_src>
import functools

import jax
import jax.numpy as jnp
from jax.experimental import pallas as pl
from jax.experimental.pallas import tpu as pltpu

_BLK = 4096
_CH = 200
_NBUF = 4
_LEAD = 2
_NC = 2
_NS = 16
_NW = _NC * _NS


def _sc_copy_body(h_hbm, out_hbm, *refs):
    from jax import lax
    bufs = refs[:_NBUF]
    in_sems = refs[_NBUF:2 * _NBUF]
    out_sems = refs[2 * _NBUF:3 * _NBUF]
    wid = lax.axis_index("s") * _NC + lax.axis_index("c")
    m = h_hbm.shape[0]
    nchunks = m // _CH
    nk = (nchunks + _NW - 1) // _NW

    def valid(j):
        return (wid + j * _NW) < nchunks

    def rows(j):
        return pl.ds((wid + j * _NW) * _CH, _CH)

    def mk_in(j):
        return pltpu.make_async_copy(h_hbm.at[rows(j)], bufs[j % _NBUF],
                                     in_sems[j % _NBUF])

    def mk_out(j):
        return pltpu.make_async_copy(bufs[j % _NBUF], out_hbm.at[rows(j)],
                                     out_sems[j % _NBUF])

    for j in range(min(_LEAD, nk)):
        @pl.when(valid(j))
        def _prime(j=j):
            mk_in(j).start()

    for j in range(nk):
        @pl.when(valid(j))
        def _consume(j=j):
            mk_in(j).wait()
            mk_out(j).start()
        nx = j + _LEAD
        if nx < nk:
            if nx >= _NBUF:
                @pl.when(valid(nx - _NBUF))
                def _free(j=nx - _NBUF):
                    mk_out(j).wait()

            @pl.when(valid(nx))
            def _prefetch(j=nx):
                mk_in(j).start()

    for j in range(max(nk - _NBUF, 0), nk):
        @pl.when(valid(j))
        def _drain(j=j):
            mk_out(j).wait()


def _sc_copy(h):
    from jax.experimental.pallas import tpu_sc as plsc
    m, hd = h.shape
    fn = functools.partial(
        pl.kernel,
        mesh=plsc.VectorSubcoreMesh(core_axis_name="c", subcore_axis_name="s"),
        out_type=jax.ShapeDtypeStruct((m, hd), h.dtype),
        scratch_types=[pltpu.VMEM((_CH, hd), jnp.float32)] * _NBUF
        + [pltpu.SemaphoreType.DMA] * (2 * _NBUF),
    )(_sc_copy_body)
    return fn(h)


def _gru_head(x_ref, h_ref, wir_ref, whr_ref, wiz_ref, whz_ref,
              win_ref, whn_ref, br_ref, bz_ref, bin_ref, bhn_ref,
              out_ref):
    x = x_ref[...]
    hp = h_ref[...]
    f32 = jnp.float32
    r = jax.nn.sigmoid(
        jnp.dot(x, wir_ref[...], preferred_element_type=f32)
        + jnp.dot(hp, whr_ref[...], preferred_element_type=f32)
        + br_ref[...])
    z = jax.nn.sigmoid(
        jnp.dot(x, wiz_ref[...], preferred_element_type=f32)
        + jnp.dot(hp, whz_ref[...], preferred_element_type=f32)
        + bz_ref[...])
    n = jnp.tanh(
        jnp.dot(x, win_ref[...], preferred_element_type=f32)
        + bin_ref[...]
        + r * (jnp.dot(hp, whn_ref[...], preferred_element_type=f32)
               + bhn_ref[...]))
    out_ref[...] = hp + (1.0 - z) * (n - hp)


def kernel(h, X_obs, i_obs, W_ih, W_hh, b_ih, b_hh):
    del i_obs
    M, H = h.shape
    B, IN = X_obs.shape
    grid = (B // _BLK,)

    W_ihT = W_ih.T
    W_hhT = W_hh.T
    wir, wiz, win = W_ihT[:, :H], W_ihT[:, H:2 * H], W_ihT[:, 2 * H:]
    whr, whz, whn = W_hhT[:, :H], W_hhT[:, H:2 * H], W_hhT[:, 2 * H:]
    br = (b_ih[:H] + b_hh[:H]).reshape(1, H)
    bz = (b_ih[H:2 * H] + b_hh[H:2 * H]).reshape(1, H)
    bin_ = b_ih[2 * H:].reshape(1, H)
    bhn = b_hh[2 * H:].reshape(1, H)

    tmp = _sc_copy(h)

    row_spec = pl.BlockSpec((_BLK, H), lambda i: (i, 0))
    w_spec = pl.BlockSpec((IN, H), lambda i: (0, 0))
    b_spec = pl.BlockSpec((1, H), lambda i: (0, 0))

    return pl.pallas_call(
        _gru_head,
        grid=grid,
        in_specs=[row_spec, row_spec,
                  w_spec, w_spec, w_spec, w_spec, w_spec, w_spec,
                  b_spec, b_spec, b_spec, b_spec],
        out_specs=row_spec,
        out_shape=jax.ShapeDtypeStruct((M, H), h.dtype),
        input_output_aliases={1: 0},
    )(X_obs, tmp, wir, whr, wiz, whz, win, whn, br, bz, bin_, bhn)

# --- scband reference (transcript-rebuilt; emitter-appended) ---
"""Pipeline reference for scband-grucell-16174846837279 (READ-ONLY COPY).

The authoritative reference and input builder live on the scoring server;
editing this copy changes nothing except your own understanding.
"""

import jax, jax.numpy as jnp
import numpy as np

M = 100000
B = 16384
IN = 64
H = 64


def _gru_cell(x, hprev, W_ih, W_hh, b_ih, b_hh):
    gi = x @ W_ih.T + b_ih
    gh = hprev @ W_hh.T + b_hh
    i_r, i_z, i_n = jnp.split(gi, 3, axis=1)
    h_r, h_z, h_n = jnp.split(gh, 3, axis=1)
    r = jax.nn.sigmoid(i_r + h_r)
    z = jax.nn.sigmoid(i_z + h_z)
    n = jnp.tanh(i_n + r * h_n)
    return (1.0 - z) * n + z * hprev


def setup_inputs(seed: int = 0) -> dict:
    key = jax.random.key(seed)
    k1, k2, k3, k4, k5, k6 = jax.random.split(key, 6)
    h = jax.random.normal(k1, (M, H), dtype=jnp.float32)
    X_obs = jax.random.normal(k2, (B, IN), dtype=jnp.float32)
    i_obs = jnp.arange(B, dtype=jnp.int64) if jax.config.jax_enable_x64 else jnp.arange(B, dtype=jnp.int32)
    # GRUCell parameters (PyTorch layout: weight_ih [3H, IN], weight_hh [3H, H])
    bound = 1.0 / np.sqrt(H)
    W_ih = jax.random.uniform(k3, (3 * H, IN), minval=-bound, maxval=bound, dtype=jnp.float32)
    W_hh = jax.random.uniform(k4, (3 * H, H), minval=-bound, maxval=bound, dtype=jnp.float32)
    b_ih = jax.random.uniform(k5, (3 * H,), minval=-bound, maxval=bound, dtype=jnp.float32)
    b_hh = jax.random.uniform(k6, (3 * H,), minval=-bound, maxval=bound, dtype=jnp.float32)
    return {"h": h, "X_obs": X_obs, "i_obs": i_obs, "W_ih": W_ih, "W_hh": W_hh, "b_ih": b_ih, "b_hh": b_hh}


def reference(h, X_obs, i_obs, W_ih, W_hh, b_ih, b_hh):
    # temp = h.clone(); temp[i_obs] = gru_d(X_obs, h[i_obs]); return temp
    h_obs = jnp.take(h, i_obs, axis=0)
    h_new = _gru_cell(X_obs, h_obs, W_ih, W_hh, b_ih, b_hh)
    out = h.at[i_obs].set(h_new)
    return out

if __name__ == "__main__":
    import jax
    _d = setup_inputs()
    print(jax.jit(kernel)(*tuple(_d.values())))

</pallas_src>

<mosaic_0001>
#map = affine_map<(d0, d1) -> (0, 0)>
module attributes {stable_mosaic.version = 14 : i64} {
  func.func @_sc_copy_body(%arg0: i32, %arg1: i32, %arg2: memref<100000x64xf32, #tpu.memory_space<hbm>>, %arg3: memref<100000x64xf32, #tpu.memory_space<hbm>>, %arg4: memref<200x64xf32, #tpu.memory_space<vmem>>, %arg5: memref<200x64xf32, #tpu.memory_space<vmem>>, %arg6: memref<200x64xf32, #tpu.memory_space<vmem>>, %arg7: memref<200x64xf32, #tpu.memory_space<vmem>>, %arg8: memref<!tpu.dma_semaphore, #tpu.memory_space<semaphore_mem>>, %arg9: memref<!tpu.dma_semaphore, #tpu.memory_space<semaphore_mem>>, %arg10: memref<!tpu.dma_semaphore, #tpu.memory_space<semaphore_mem>>, %arg11: memref<!tpu.dma_semaphore, #tpu.memory_space<semaphore_mem>>, %arg12: memref<!tpu.dma_semaphore, #tpu.memory_space<semaphore_mem>>, %arg13: memref<!tpu.dma_semaphore, #tpu.memory_space<semaphore_mem>>, %arg14: memref<!tpu.dma_semaphore, #tpu.memory_space<semaphore_mem>>, %arg15: memref<!tpu.dma_semaphore, #tpu.memory_space<semaphore_mem>>) attributes {dimension_semantics = [#tpu.dimension_semantics<core_parallel>, #tpu.dimension_semantics<subcore_parallel>], iteration_bounds = array<i64: 2, 16>, scalar_prefetch = 0 : i64, scratch_operands = 12 : i64, tpu.core_type = #tpu.core_type<sc_vector_subcore>, window_params = [{transform_indices = #map}, {transform_indices = #map}]} {
    %mul3A = arith.constant 2 : i32
    %mul3A_0 = arith.muli %arg1, %mul3A : i32
    %add3A = arith.addi %mul3A_0, %arg0 : i32
    %add3A_1 = arith.constant 0 : i32
    %add3A_2 = arith.addi %add3A, %add3A_1 : i32
    %lt3A = arith.constant 500 : i32
    %lt3A_3 = arith.cmpi slt, %add3A_2, %lt3A : i32
    %convert_element_type3A = arith.extui %lt3A_3 : i1 to i32
    %cond3A = arith.constant 0 : i32
    %cond3A_4 = arith.cmpi ne, %convert_element_type3A, %cond3A : i32
    scf.if %cond3A_4 {
      %add3A_334 = arith.constant 0 : i32
      %add3A_335 = arith.addi %add3A, %add3A_334 : i32
      %mul3A_336 = arith.constant 200 : i32
      %mul3A_337 = arith.muli %add3A_335, %mul3A_336 : i32
      %dma_start3A = arith.constant 0 : i32
      %dma_start3A_338 = tpu.memref_slice %arg2[%mul3A_337, %dma_start3A] : memref<100000x64xf32, #tpu.memory_space<hbm>> -> memref<200x64xf32, #tpu.memory_space<hbm>>
      %dma_start3A_339 = arith.constant 0 : i32
      %dma_start3A_340 = tpu.memref_slice %arg2[%mul3A_337, %dma_start3A_339] : memref<100000x64xf32, #tpu.memory_space<hbm>> -> memref<200x64xf32, #tpu.memory_space<hbm>>
      tpu.enqueue_dma source(%dma_start3A_340 : memref<200x64xf32, #tpu.memory_space<hbm>>) target(%arg4 : memref<200x64xf32, #tpu.memory_space<vmem>>) target_semaphore(%arg8 : memref<!tpu.dma_semaphore, #tpu.memory_space<semaphore_mem>>)
    } else {
    }
    %add3A_5 = arith.constant 32 : i32
    %add3A_6 = arith.addi %add3A, %add3A_5 : i32
    %lt3A_7 = arith.constant 500 : i32
    %lt3A_8 = arith.cmpi slt, %add3A_6, %lt3A_7 : i32
    %convert_element_type3A_9 = arith.extui %lt3A_8 : i1 to i32
    %cond3A_10 = arith.constant 0 : i32
    %cond3A_11 = arith.cmpi ne, %convert_element_type3A_9, %cond3A_10 : i32
    scf.if %cond3A_11 {
      %add3A_334 = arith.constant 32 : i32
      %add3A_335 = arith.addi %add3A, %add3A_334 : i32
      %mul3A_336 = arith.constant 200 : i32
      %mul3A_337 = arith.muli %add3A_335, %mul3A_336 : i32
      %dma_start3A = arith.constant 0 : i32
      %dma_start3A_338 = tpu.memref_slice %arg2[%mul3A_337, %dma_start3A] : memref<100000x64xf32, #tpu.memory_space<hbm>> -> memref<200x64xf32, #tpu.memory_space<hbm>>
      %dma_start3A_339 = arith.constant 0 : i32
      %dma_start3A_340 = tpu.memref_slice %arg2[%mul3A_337, %dma_start3A_339] : memref<100000x64xf32, #tpu.memory_space<hbm>> -> memref<200x64xf32, #tpu.memory_space<hbm>>
      tpu.enqueue_dma source(%dma_start3A_340 : memref<200x64xf32, #tpu.memory_space<hbm>>) target(%arg5 : memref<200x64xf32, #tpu.memory_space<vmem>>) target_semaphore(%arg9 : memref<!tpu.dma_semaphore, #tpu.memory_space<semaphore_mem>>)
    } else {
    }
    %add3A_12 = arith.constant 0 : i32
    %add3A_13 = arith.addi %add3A, %add3A_12 : i32
    %lt3A_14 = arith.constant 500 : i32
    %lt3A_15 = arith.cmpi slt, %add3A_13, %lt3A_14 : i32
    %convert_element_type3A_16 = arith.extui %lt3A_15 : i1 to i32
    %cond3A_17 = arith.constant 0 : i32
    %cond3A_18 = arith.cmpi ne, %convert_element_type3A_16, %cond3A_17 : i32
    scf.if %cond3A_18 {
      %add3A_334 = arith.constant 0 : i32
      %add3A_335 = arith.addi %add3A, %add3A_334 : i32
      %mul3A_336 = arith.constant 200 : i32
      %mul3A_337 = arith.muli %add3A_335, %mul3A_336 : i32
      %dma_wait3A = arith.constant 0 : i32
      %dma_wait3A_338 = tpu.memref_slice %arg2[%mul3A_337, %dma_wait3A] : memref<100000x64xf32, #tpu.memory_space<hbm>> -> memref<200x64xf32, #tpu.memory_space<hbm>>
      %dma_wait3A_339 = arith.constant 0 : i32
      %dma_wait3A_340 = tpu.memref_slice %arg2[%mul3A_337, %dma_wait3A_339] : memref<100000x64xf32, #tpu.memory_space<hbm>> -> memref<200x64xf32, #tpu.memory_space<hbm>>
      tpu.wait_dma2 semaphore(%arg8 : memref<!tpu.dma_semaphore, #tpu.memory_space<semaphore_mem>>) src(%dma_wait3A_340 : memref<200x64xf32, #tpu.memory_space<hbm>>) dst(%arg4 : memref<200x64xf32, #tpu.memory_space<vmem>>)
      %add3A_341 = arith.constant 0 : i32
      %add3A_342 = arith.addi %add3A, %add3A_341 : i32
      %mul3A_343 = arith.constant 200 : i32
      %mul3A_344 = arith.muli %add3A_342, %mul3A_343 : i32
      %dma_start3A = arith.constant 0 : i32
      %dma_start3A_345 = tpu.memref_slice %arg3[%mul3A_344, %dma_start3A] : memref<100000x64xf32, #tpu.memory_space<hbm>> -> memref<200x64xf32, #tpu.memory_space<hbm>>
      %dma_start3A_346 = arith.constant 0 : i32
      %dma_start3A_347 = tpu.memref_slice %arg3[%mul3A_344, %dma_start3A_346] : memref<100000x64xf32, #tpu.memory_space<hbm>> -> memref<200x64xf32, #tpu.memory_space<hbm>>
      tpu.enqueue_dma source(%arg4 : memref<200x64xf32, #tpu.memory_space<vmem>>) target(%dma_start3A_347 : memref<200x64xf32, #tpu.memory_space<hbm>>) target_semaphore(%arg12 : memref<!tpu.dma_semaphore, #tpu.memory_space<semaphore_mem>>)
    } else {
    }
    %add3A_19 = arith.constant 64 : i32
    %add3A_20 = arith.addi %add3A, %add3A_19 : i32
    %lt3A_21 = arith.constant 500 : i32
    %lt3A_22 = arith.cmpi slt, %add3A_20, %lt3A_21 : i32
    %convert_element_type3A_23 = arith.extui %lt3A_22 : i1 to i32
    %cond3A_24 = arith.constant 0 : i32
    %cond3A_25 = arith.cmpi ne, %convert_element_type3A_23, %cond3A_24 : i32
    scf.if %cond3A_25 {
      %add3A_334 = arith.constant 64 : i32
      %add3A_335 = arith.addi %add3A, %add3A_334 : i32
      %mul3A_336 = arith.constant 200 : i32
      %mul3A_337 = arith.muli %add3A_335, %mul3A_336 : i32
      %dma_start3A = arith.constant 0 : i32
      %dma_start3A_338 = tpu.memref_slice %arg2[%mul3A_337, %dma_start3A] : memref<100000x64xf32, #tpu.memory_space<hbm>> -> memref<200x64xf32, #tpu.memory_space<hbm>>
      %dma_start3A_339 = arith.constant 0 : i32
      %dma_start3A_340 = tpu.memref_slice %arg2[%mul3A_337, %dma_start3A_339] : memref<100000x64xf32, #tpu.memory_space<hbm>> -> memref<200x64xf32, #tpu.memory_space<hbm>>
      tpu.enqueue_dma source(%dma_start3A_340 : memref<200x64xf32, #tpu.memory_space<hbm>>) target(%arg6 : memref<200x64xf32, #tpu.memory_space<vmem>>) target_semaphore(%arg10 : memref<!tpu.dma_semaphore, #tpu.memory_space<semaphore_mem>>)
    } else {
    }
    %add3A_26 = arith.constant 32 : i32
    %add3A_27 = arith.addi %add3A, %add3A_26 : i32
    %lt3A_28 = arith.constant 500 : i32
    %lt3A_29 = arith.cmpi slt, %add3A_27, %lt3A_28 : i32
    %convert_element_type3A_30 = arith.extui %lt3A_29 : i1 to i32
    %cond3A_31 = arith.constant 0 : i32
    %cond3A_32 = arith.cmpi ne, %convert_element_type3A_30, %cond3A_31 : i32
    scf.if %cond3A_32 {
      %add3A_334 = arith.constant 32 : i32
      %add3A_335 = arith.addi %add3A, %add3A_334 : i32
      %mul3A_336 = arith.constant 200 : i32
      %mul3A_337 = arith.muli %add3A_335, %mul3A_336 : i32
      %dma_wait3A = arith.constant 0 : i32
      %dma_wait3A_338 = tpu.memref_slice %arg2[%mul3A_337, %dma_wait3A] : memref<100000x64xf32, #tpu.memory_space<hbm>> -> memref<200x64xf32, #tpu.memory_space<hbm>>
      %dma_wait3A_339 = arith.constant 0 : i32
      %dma_wait3A_340 = tpu.memref_slice %arg2[%mul3A_337, %dma_wait3A_339] : memref<100000x64xf32, #tpu.memory_space<hbm>> -> memref<200x64xf32, #tpu.memory_space<hbm>>
      tpu.wait_dma2 semaphore(%arg9 : memref<!tpu.dma_semaphore, #tpu.memory_space<semaphore_mem>>) src(%dma_wait3A_340 : memref<200x64xf32, #tpu.memory_space<hbm>>) dst(%arg5 : memref<200x64xf32, #tpu.memory_space<vmem>>)
      %add3A_341 = arith.constant 32 : i32
      %add3A_342 = arith.addi %add3A, %add3A_341 : i32
      %mul3A_343 = arith.constant 200 : i32
      %mul3A_344 = arith.muli %add3A_342, %mul3A_343 : i32
      %dma_start3A = arith.constant 0 : i32
      %dma_start3A_345 = tpu.memref_slice %arg3[%mul3A_344, %dma_start3A] : memref<100000x64xf32, #tpu.memory_space<hbm>> -> memref<200x64xf32, #tpu.memory_space<hbm>>
      %dma_start3A_346 = arith.constant 0 : i32
      %dma_start3A_347 = tpu.memref_slice %arg3[%mul3A_344, %dma_start3A_346] : memref<100000x64xf32, #tpu.memory_space<hbm>> -> memref<200x64xf32, #tpu.memory_space<hbm>>
      tpu.enqueue_dma source(%arg5 : memref<200x64xf32, #tpu.memory_space<vmem>>) target(%dma_start3A_347 : memref<200x64xf32, #tpu.memory_space<hbm>>) target_semaphore(%arg13 : memref<!tpu.dma_semaphore, #tpu.memory_space<semaphore_mem>>)
    } else {
    }
    %add3A_33 = arith.constant 96 : i32
    %add3A_34 = arith.addi %add3A, %add3A_33 : i32
    %lt3A_35 = arith.constant 500 : i32
    %lt3A_36 = arith.cmpi slt, %add3A_34, %lt3A_35 : i32
    %convert_element_type3A_37 = arith.extui %lt3A_36 : i1 to i32
    %cond3A_38 = arith.constant 0 : i32
    %cond3A_39 = arith.cmpi ne, %convert_element_type3A_37, %cond3A_38 : i32
    scf.if %cond3A_39 {
      %add3A_334 = arith.constant 96 : i32
      %add3A_335 = arith.addi %add3A, %add3A_334 : i32
      %mul3A_336 = arith.constant 200 : i32
      %mul3A_337 = arith.muli %add3A_335, %mul3A_336 : i32
      %dma_start3A = arith.constant 0 : i32
      %dma_start3A_338 = tpu.memref_slice %arg2[%mul3A_337, %dma_start3A] : memref<100000x64xf32, #tpu.memory_space<hbm>> -> memref<200x64xf32, #tpu.memory_space<hbm>>
      %dma_start3A_339 = arith.constant 0 : i32
      %dma_start3A_340 = tpu.memref_slice %arg2[%mul3A_337, %dma_start3A_339] : memref<100000x64xf32, #tpu.memory_space<hbm>> -> memref<200x64xf32, #tpu.memory_space<hbm>>
      tpu.enqueue_dma source(%dma_start3A_340 : memref<200x64xf32, #tpu.memory_space<hbm>>) target(%arg7 : memref<200x64xf32, #tpu.memory_space<vmem>>) target_semaphore(%arg11 : memref<!tpu.dma_semaphore, #tpu.memory_space<semaphore_mem>>)
    } else {
    }
    %add3A_40 = arith.constant 64 : i32
    %add3A_41 = arith.addi %add3A, %add3A_40 : i32
    %lt3A_42 = arith.constant 500 : i32
    %lt3A_43 = arith.cmpi slt, %add3A_41, %lt3A_42 : i32
    %convert_element_type3A_44 = arith.extui %lt3A_43 : i1 to i32
    %cond3A_45 = arith.constant 0 : i32
    %cond3A_46 = arith.cmpi ne, %convert_element_type3A_44, %cond3A_45 : i32
    scf.if %cond3A_46 {
      %add3A_334 = arith.constant 64 : i32
      %add3A_335 = arith.addi %add3A, %add3A_334 : i32
      %mul3A_336 = arith.constant 200 : i32
      %mul3A_337 = arith.muli %add3A_335, %mul3A_336 : i32
      %dma_wait3A = arith.constant 0 : i32
      %dma_wait3A_338 = tpu.memref_slice %arg2[%mul3A_337, %dma_wait3A] : memref<100000x64xf32, #tpu.memory_space<hbm>> -> memref<200x64xf32, #tpu.memory_space<hbm>>
      %dma_wait3A_339 = arith.constant 0 : i32
      %dma_wait3A_340 = tpu.memref_slice %arg2[%mul3A_337, %dma_wait3A_339] : memref<100000x64xf32, #tpu.memory_space<hbm>> -> memref<200x64xf32, #tpu.memory_space<hbm>>
      tpu.wait_dma2 semaphore(%arg10 : memref<!tpu.dma_semaphore, #tpu.memory_space<semaphore_mem>>) src(%dma_wait3A_340 : memref<200x64xf32, #tpu.memory_space<hbm>>) dst(%arg6 : memref<200x64xf32, #tpu.memory_space<vmem>>)
      %add3A_341 = arith.constant 64 : i32
      %add3A_342 = arith.addi %add3A, %add3A_341 : i32
      %mul3A_343 = arith.constant 200 : i32
      %mul3A_344 = arith.muli %add3A_342, %mul3A_343 : i32
      %dma_start3A = arith.constant 0 : i32
      %dma_start3A_345 = tpu.memref_slice %arg3[%mul3A_344, %dma_start3A] : memref<100000x64xf32, #tpu.memory_space<hbm>> -> memref<200x64xf32, #tpu.memory_space<hbm>>
      %dma_start3A_346 = arith.constant 0 : i32
      %dma_start3A_347 = tpu.memref_slice %arg3[%mul3A_344, %dma_start3A_346] : memref<100000x64xf32, #tpu.memory_space<hbm>> -> memref<200x64xf32, #tpu.memory_space<hbm>>
      tpu.enqueue_dma source(%arg6 : memref<200x64xf32, #tpu.memory_space<vmem>>) target(%dma_start3A_347 : memref<200x64xf32, #tpu.memory_space<hbm>>) target_semaphore(%arg14 : memref<!tpu.dma_semaphore, #tpu.memory_space<semaphore_mem>>)
    } else {
    }
    %add3A_47 = arith.constant 0 : i32
    %add3A_48 = arith.addi %add3A, %add3A_47 : i32
    %lt3A_49 = arith.constant 500 : i32
    %lt3A_50 = arith.cmpi slt, %add3A_48, %lt3A_49 : i32
    %convert_element_type3A_51 = arith.extui %lt3A_50 : i1 to i32
    %cond3A_52 = arith.constant 0 : i32
    %cond3A_53 = arith.cmpi ne, %convert_element_type3A_51, %cond3A_52 : i32
    scf.if %cond3A_53 {
      %add3A_334 = arith.constant 0 : i32
      %add3A_335 = arith.addi %add3A, %add3A_334 : i32
      %mul3A_336 = arith.constant 200 : i32
      %mul3A_337 = arith.muli %add3A_335, %mul3A_336 : i32
      %dma_wait3A = arith.constant 0 : i32
      %dma_wait3A_338 = tpu.memref_slice %arg3[%mul3A_337, %dma_wait3A] : memref<100000x64xf32, #tpu.memory_space<hbm>> -> memref<200x64xf32, #tpu.memory_space<hbm>>
      %dma_wait3A_339 = arith.constant 0 : i32
      %dma_wait3A_340 = tpu.memref_slice %arg3[%mul3A_337, %dma_wait3A_339] : memref<100000x64xf32, #tpu.memory_space<hbm>> -> memref<200x64xf32, #tpu.memory_space<hbm>>
      tpu.wait_dma2 semaphore(%arg12 : memref<!tpu.dma_semaphore, #tpu.memory_space<semaphore_mem>>) src(%arg4 : memref<200x64xf32, #tpu.memory_space<vmem>>) dst(%dma_wait3A_340 : memref<200x64xf32, #tpu.memory_space<hbm>>)
    } else {
    }
    %add3A_54 = arith.constant 128 : i32
    %add3A_55 = arith.addi %add3A, %add3A_54 : i32
    %lt3A_56 = arith.constant 500 : i32
    %lt3A_57 = arith.cmpi slt, %add3A_55, %lt3A_56 : i32
    %convert_element_type3A_58 = arith.extui %lt3A_57 : i1 to i32
    %cond3A_59 = arith.constant 0 : i32
    %cond3A_60 = arith.cmpi ne, %convert_element_type3A_58, %cond3A_59 : i32
    scf.if %cond3A_60 {
      %add3A_334 = arith.constant 128 : i32
      %add3A_335 = arith.addi %add3A, %add3A_334 : i32
      %mul3A_336 = arith.constant 200 : i32
      %mul3A_337 = arith.muli %add3A_335, %mul3A_336 : i32
      %dma_start3A = arith.constant 0 : i32
      %dma_start3A_338 = tpu.memref_slice %arg2[%mul3A_337, %dma_start3A] : memref<100000x64xf32, #tpu.memory_space<hbm>> -> memref<200x64xf32, #tpu.memory_space<hbm>>
      %dma_start3A_339 = arith.constant 0 : i32
      %dma_start3A_340 = tpu.memref_slice %arg2[%mul3A_337, %dma_start3A_339] : memref<100000x64xf32, #tpu.memory_space<hbm>> -> memref<200x64xf32, #tpu.memory_space<hbm>>
      tpu.enqueue_dma source(%dma_start3A_340 : memref<200x64xf32, #tpu.memory_space<hbm>>) target(%arg4 : memref<200x64xf32, #tpu.memory_space<vmem>>) target_semaphore(%arg8 : memref<!tpu.dma_semaphore, #tpu.memory_space<semaphore_mem>>)
    } else {
    }
    %add3A_61 = arith.constant 96 : i32
    %add3A_62 = arith.addi %add3A, %add3A_61 : i32
    %lt3A_63 = arith.constant 500 : i32
    %lt3A_64 = arith.cmpi slt, %add3A_62, %lt3A_63 : i32
    %convert_element_type3A_65 = arith.extui %lt3A_64 : i1 to i32
    %cond3A_66 = arith.constant 0 : i32
    %cond3A_67 = arith.cmpi ne, %convert_element_type3A_65, %cond3A_66 : i32
    scf.if %cond3A_67 {
      %add3A_334 = arith.constant 96 : i32
      %add3A_335 = arith.addi %add3A, %add3A_334 : i32
      %mul3A_336 = arith.constant 200 : i32
      %mul3A_337 = arith.muli %add3A_335, %mul3A_336 : i32
      %dma_wait3A = arith.constant 0 : i32
      %dma_wait3A_338 = tpu.memref_slice %arg2[%mul3A_337, %dma_wait3A] : memref<100000x64xf32, #tpu.memory_space<hbm>> -> memref<200x64xf32, #tpu.memory_space<hbm>>
      %dma_wait3A_339 = arith.constant 0 : i32
      %dma_wait3A_340 = tpu.memref_slice %arg2[%mul3A_337, %dma_wait3A_339] : memref<100000x64xf32, #tpu.memory_space<hbm>> -> memref<200x64xf32, #tpu.memory_space<hbm>>
      tpu.wait_dma2 semaphore(%arg11 : memref<!tpu.dma_semaphore, #tpu.memory_space<semaphore_mem>>) src(%dma_wait3A_340 : memref<200x64xf32, #tpu.memory_space<hbm>>) dst(%arg7 : memref<200x64xf32, #tpu.memory_space<vmem>>)
      %add3A_341 = arith.constant 96 : i32
      %add3A_342 = arith.addi %add3A, %add3A_341 : i32
      %mul3A_343 = arith.constant 200 : i32
      %mul3A_344 = arith.muli %add3A_342, %mul3A_343 : i32
      %dma_start3A = arith.constant 0 : i32
      %dma_start3A_345 = tpu.memref_slice %arg3[%mul3A_344, %dma_start3A] : memref<100000x64xf32, #tpu.memory_space<hbm>> -> memref<200x64xf32, #tpu.memory_space<hbm>>
      %dma_start3A_346 = arith.constant 0 : i32
      %dma_start3A_347 = tpu.memref_slice %arg3[%mul3A_344, %dma_start3A_346] : memref<100000x64xf32, #tpu.memory_space<hbm>> -> memref<200x64xf32, #tpu.memory_space<hbm>>
      tpu.enqueue_dma source(%arg7 : memref<200x64xf32, #tpu.memory_space<vmem>>) target(%dma_start3A_347 : memref<200x64xf32, #tpu.memory_space<hbm>>) target_semaphore(%arg15 : memref<!tpu.dma_semaphore, #tpu.memory_space<semaphore_mem>>)
    } else {
    }
    %add3A_68 = arith.constant 32 : i32
    %add3A_69 = arith.addi %add3A, %add3A_68 : i32
    %lt3A_70 = arith.constant 500 : i32
    %lt3A_71 = arith.cmpi slt, %add3A_69, %lt3A_70 : i32
    %convert_element_type3A_72 = arith.extui %lt3A_71 : i1 to i32
    %cond3A_73 = arith.constant 0 : i32
    %cond3A_74 = arith.cmpi ne, %convert_element_type3A_72, %cond3A_73 : i32
    scf.if %cond3A_74 {
      %add3A_334 = arith.constant 32 : i32
      %add3A_335 = arith.addi %add3A, %add3A_334 : i32
      %mul3A_336 = arith.constant 200 : i32
      %mul3A_337 = arith.muli %add3A_335, %mul3A_336 : i32
      %dma_wait3A = arith.constant 0 : i32
      %dma_wait3A_338 = tpu.memref_slice %arg3[%mul3A_337, %dma_wait3A] : memref<100000x64xf32, #tpu.memory_space<hbm>> -> memref<200x64xf32, #tpu.memory_space<hbm>>
      %dma_wait3A_339 = arith.constant 0 : i32
      %dma_wait3A_340 = tpu.memref_slice %arg3[%mul3A_337, %dma_wait3A_339] : memref<100000x64xf32, #tpu.memory_space<hbm>> -> memref<200x64xf32, #tpu.memory_space<hbm>>
      tpu.wait_dma2 semaphore(%arg13 : memref<!tpu.dma_semaphore, #tpu.memory_space<semaphore_mem>>) src(%arg5 : memref<200x64xf32, #tpu.memory_space<vmem>>) dst(%dma_wait3A_340 : memref<200x64xf32, #tpu.memory_space<hbm>>)
    } else {
    }
    %add3A_75 = arith.constant 160 : i32
    %add3A_76 = arith.addi %add3A, %add3A_75 : i32
    %lt3A_77 = arith.constant 500 : i32
    %lt3A_78 = arith.cmpi slt, %add3A_76, %lt3A_77 : i32
    %convert_element_type3A_79 = arith.extui %lt3A_78 : i1 to i32
    %cond3A_80 = arith.constant 0 : i32
    %cond3A_81 = arith.cmpi ne, %convert_element_type3A_79, %cond3A_80 : i32
    scf.if %cond3A_81 {
      %add3A_334 = arith.constant 160 : i32
      %add3A_335 = arith.addi %add3A, %add3A_334 : i32
      %mul3A_336 = arith.constant 200 : i32
      %mul3A_337 = arith.muli %add3A_335, %mul3A_336 : i32
      %dma_start3A = arith.constant 0 : i32
      %dma_start3A_338 = tpu.memref_slice %arg2[%mul3A_337, %dma_start3A] : memref<100000x64xf32, #tpu.memory_space<hbm>> -> memref<200x64xf32, #tpu.memory_space<hbm>>
      %dma_start3A_339 = arith.constant 0 : i32
      %dma_start3A_340 = tpu.memref_slice %arg2[%mul3A_337, %dma_start3A_339] : memref<100000x64xf32, #tpu.memory_space<hbm>> -> memref<200x64xf32, #tpu.memory_space<hbm>>
      tpu.enqueue_dma source(%dma_start3A_340 : memref<200x64xf32, #tpu.memory_space<hbm>>) target(%arg5 : memref<200x64xf32, #tpu.memory_space<vmem>>) target_semaphore(%arg9 : memref<!tpu.dma_semaphore, #tpu.memory_space<semaphore_mem>>)
    } else {
    }
    %add3A_82 = arith.constant 128 : i32
    %add3A_83 = arith.addi %add3A, %add3A_82 : i32
    %lt3A_84 = arith.constant 500 : i32
    %lt3A_85 = arith.cmpi slt, %add3A_83, %lt3A_84 : i32
    %convert_element_type3A_86 = arith.extui %lt3A_85 : i1 to i32
    %cond3A_87 = arith.constant 0 : i32
    %cond3A_88 = arith.cmpi ne, %convert_element_type3A_86, %cond3A_87 : i32
    scf.if %cond3A_88 {
      %add3A_334 = arith.constant 128 : i32
      %add3A_335 = arith.addi %add3A, %add3A_334 : i32
      %mul3A_336 = arith.constant 200 : i32
      %mul3A_337 = arith.muli %add3A_335, %mul3A_336 : i32
      %dma_wait3A = arith.constant 0 : i32
      %dma_wait3A_338 = tpu.memref_slice %arg2[%mul3A_337, %dma_wait3A] : memref<100000x64xf32, #tpu.memory_space<hbm>> -> memref<200x64xf32, #tpu.memory_space<hbm>>
      %dma_wait3A_339 = arith.constant 0 : i32
      %dma_wait3A_340 = tpu.memref_slice %arg2[%mul3A_337, %dma_wait3A_339] : memref<100000x64xf32, #tpu.memory_space<hbm>> -> memref<200x64xf32, #tpu.memory_space<hbm>>
      tpu.wait_dma2 semaphore(%arg8 : memref<!tpu.dma_semaphore, #tpu.memory_space<semaphore_mem>>) src(%dma_wait3A_340 : memref<200x64xf32, #tpu.memory_space<hbm>>) dst(%arg4 : memref<200x64xf32, #tpu.memory_space<vmem>>)
      %add3A_341 = arith.constant 128 : i32
      %add3A_342 = arith.addi %add3A, %add3A_341 : i32
      %mul3A_343 = arith.constant 200 : i32
      %mul3A_344 = arith.muli %add3A_342, %mul3A_343 : i32
      %dma_start3A = arith.constant 0 : i32
      %dma_start3A_345 = tpu.memref_slice %arg3[%mul3A_344, %dma_start3A] : memref<100000x64xf32, #tpu.memory_space<hbm>> -> memref<200x64xf32, #tpu.memory_space<hbm>>
      %dma_start3A_346 = arith.constant 0 : i32
      %dma_start3A_347 = tpu.memref_slice %arg3[%mul3A_344, %dma_start3A_346] : memref<100000x64xf32, #tpu.memory_space<hbm>> -> memref<200x64xf32, #tpu.memory_space<hbm>>
      tpu.enqueue_dma source(%arg4 : memref<200x64xf32, #tpu.memory_space<vmem>>) target(%dma_start3A_347 : memref<200x64xf32, #tpu.memory_space<hbm>>) target_semaphore(%arg12 : memref<!tpu.dma_semaphore, #tpu.memory_space<semaphore_mem>>)
    } else {
    }
    %add3A_89 = arith.constant 64 : i32
    %add3A_90 = arith.addi %add3A, %add3A_89 : i32
    %lt3A_91 = arith.constant 500 : i32
    %lt3A_92 = arith.cmpi slt, %add3A_90, %lt3A_91 : i32
    %convert_element_type3A_93 = arith.extui %lt3A_92 : i1 to i32
    %cond3A_94 = arith.constant 0 : i32
    %cond3A_95 = arith.cmpi ne, %convert_element_type3A_93, %cond3A_94 : i32
    scf.if %cond3A_95 {
      %add3A_334 = arith.constant 64 : i32
      %add3A_335 = arith.addi %add3A, %add3A_334 : i32
      %mul3A_336 = arith.constant 200 : i32
      %mul3A_337 = arith.muli %add3A_335, %mul3A_336 : i32
      %dma_wait3A = arith.constant 0 : i32
      %dma_wait3A_338 = tpu.memref_slice %arg3[%mul3A_337, %dma_wait3A] : memref<100000x64xf32, #tpu.memory_space<hbm>> -> memref<200x64xf32, #tpu.memory_space<hbm>>
      %dma_wait3A_339 = arith.constant 0 : i32
      %dma_wait3A_340 = tpu.memref_slice %arg3[%mul3A_337, %dma_wait3A_339] : memref<100000x64xf32, #tpu.memory_space<hbm>> -> memref<200x64xf32, #tpu.memory_space<hbm>>
      tpu.wait_dma2 semaphore(%arg14 : memref<!tpu.dma_semaphore, #tpu.memory_space<semaphore_mem>>) src(%arg6 : memref<200x64xf32, #tpu.memory_space<vmem>>) dst(%dma_wait3A_340 : memref<200x64xf32, #tpu.memory_space<hbm>>)
    } else {
    }
    %add3A_96 = arith.constant 192 : i32
    %add3A_97 = arith.addi %add3A, %add3A_96 : i32
    %lt3A_98 = arith.constant 500 : i32
    %lt3A_99 = arith.cmpi slt, %add3A_97, %lt3A_98 : i32
    %convert_element_type3A_100 = arith.extui %lt3A_99 : i1 to i32
    %cond3A_101 = arith.constant 0 : i32
    %cond3A_102 = arith.cmpi ne, %convert_element_type3A_100, %cond3A_101 : i32
    scf.if %cond3A_102 {
      %add3A_334 = arith.constant 192 : i32
      %add3A_335 = arith.addi %add3A, %add3A_334 : i32
      %mul3A_336 = arith.constant 200 : i32
      %mul3A_337 = arith.muli %add3A_335, %mul3A_336 : i32
      %dma_start3A = arith.constant 0 : i32
      %dma_start3A_338 = tpu.memref_slice %arg2[%mul3A_337, %dma_start3A] : memref<100000x64xf32, #tpu.memory_space<hbm>> -> memref<200x64xf32, #tpu.memory_space<hbm>>
      %dma_start3A_339 = arith.constant 0 : i32
      %dma_start3A_340 = tpu.memref_slice %arg2[%mul3A_337, %dma_start3A_339] : memref<100000x64xf32, #tpu.memory_space<hbm>> -> memref<200x64xf32, #tpu.memory_space<hbm>>
      tpu.enqueue_dma source(%dma_start3A_340 : memref<200x64xf32, #tpu.memory_space<hbm>>) target(%arg6 : memref<200x64xf32, #tpu.memory_space<vmem>>) target_semaphore(%arg10 : memref<!tpu.dma_semaphore, #tpu.memory_space<semaphore_mem>>)
    } else {
    }
    %add3A_103 = arith.constant 160 : i32
    %add3A_104 = arith.addi %add3A, %add3A_103 : i32
    %lt3A_105 = arith.constant 500 : i32
    %lt3A_106 = arith.cmpi slt, %add3A_104, %lt3A_105 : i32
    %convert_element_type3A_107 = arith.extui %lt3A_106 : i1 to i32
    %cond3A_108 = arith.constant 0 : i32
    %cond3A_109 = arith.cmpi ne, %convert_element_type3A_107, %cond3A_108 : i32
    scf.if %cond3A_109 {
      %add3A_334 = arith.constant 160 : i32
      %add3A_335 = arith.addi %add3A, %add3A_334 : i32
      %mul3A_336 = arith.constant 200 : i32
      %mul3A_337 = arith.muli %add3A_335, %mul3A_336 : i32
      %dma_wait3A = arith.constant 0 : i32
      %dma_wait3A_338 = tpu.memref_slice %arg2[%mul3A_337, %dma_wait3A] : memref<100000x64xf32, #tpu.memory_space<hbm>> -> memref<200x64xf32, #tpu.memory_space<hbm>>
      %dma_wait3A_339 = arith.constant 0 : i32
      %dma_wait3A_340 = tpu.memref_slice %arg2[%mul3A_337, %dma_wait3A_339] : memref<100000x64xf32, #tpu.memory_space<hbm>> -> memref<200x64xf32, #tpu.memory_space<hbm>>
      tpu.wait_dma2 semaphore(%arg9 : memref<!tpu.dma_semaphore, #tpu.memory_space<semaphore_mem>>) src(%dma_wait3A_340 : memref<200x64xf32, #tpu.memory_space<hbm>>) dst(%arg5 : memref<200x64xf32, #tpu.memory_space<vmem>>)
      %add3A_341 = arith.constant 160 : i32
      %add3A_342 = arith.addi %add3A, %add3A_341 : i32
      %mul3A_343 = arith.constant 200 : i32
      %mul3A_344 = arith.muli %add3A_342, %mul3A_343 : i32
      %dma_start3A = arith.constant 0 : i32
      %dma_start3A_345 = tpu.memref_slice %arg3[%mul3A_344, %dma_start3A] : memref<100000x64xf32, #tpu.memory_space<hbm>> -> memref<200x64xf32, #tpu.memory_space<hbm>>
      %dma_start3A_346 = arith.constant 0 : i32
      %dma_start3A_347 = tpu.memref_slice %arg3[%mul3A_344, %dma_start3A_346] : memref<100000x64xf32, #tpu.memory_space<hbm>> -> memref<200x64xf32, #tpu.memory_space<hbm>>
      tpu.enqueue_dma source(%arg5 : memref<200x64xf32, #tpu.memory_space<vmem>>) target(%dma_start3A_347 : memref<200x64xf32, #tpu.memory_space<hbm>>) target_semaphore(%arg13 : memref<!tpu.dma_semaphore, #tpu.memory_space<semaphore_mem>>)
    } else {
    }
    %add3A_110 = arith.constant 96 : i32
    %add3A_111 = arith.addi %add3A, %add3A_110 : i32
    %lt3A_112 = arith.constant 500 : i32
    %lt3A_113 = arith.cmpi slt, %add3A_111, %lt3A_112 : i32
    %convert_element_type3A_114 = arith.extui %lt3A_113 : i1 to i32
    %cond3A_115 = arith.constant 0 : i32
    %cond3A_116 = arith.cmpi ne, %convert_element_type3A_114, %cond3A_115 : i32
    scf.if %cond3A_116 {
      %add3A_334 = arith.constant 96 : i32
      %add3A_335 = arith.addi %add3A, %add3A_334 : i32
      %mul3A_336 = arith.constant 200 : i32
      %mul3A_337 = arith.muli %add3A_335, %mul3A_336 : i32
      %dma_wait3A = arith.constant 0 : i32
      %dma_wait3A_338 = tpu.memref_slice %arg3[%mul3A_337, %dma_wait3A] : memref<100000x64xf32, #tpu.memory_space<hbm>> -> memref<200x64xf32, #tpu.memory_space<hbm>>
      %dma_wait3A_339 = arith.constant 0 : i32
      %dma_wait3A_340 = tpu.memref_slice %arg3[%mul3A_337, %dma_wait3A_339] : memref<100000x64xf32, #tpu.memory_space<hbm>> -> memref<200x64xf32, #tpu.memory_space<hbm>>
      tpu.wait_dma2 semaphore(%arg15 : memref<!tpu.dma_semaphore, #tpu.memory_space<semaphore_mem>>) src(%arg7 : memref<200x64xf32, #tpu.memory_space<vmem>>) dst(%dma_wait3A_340 : memref<200x64xf32, #tpu.memory_space<hbm>>)
    } else {
    }
    %add3A_117 = arith.constant 224 : i32
    %add3A_118 = arith.addi %add3A, %add3A_117 : i32
    %lt3A_119 = arith.constant 500 : i32
    %lt3A_120 = arith.cmpi slt, %add3A_118, %lt3A_119 : i32
    %convert_element_type3A_121 = arith.extui %lt3A_120 : i1 to i32
    %cond3A_122 = arith.constant 0 : i32
    %cond3A_123 = arith.cmpi ne, %convert_element_type3A_121, %cond3A_122 : i32
    scf.if %cond3A_123 {
      %add3A_334 = arith.constant 224 : i32
      %add3A_335 = arith.addi %add3A, %add3A_334 : i32
      %mul3A_336 = arith.constant 200 : i32
      %mul3A_337 = arith.muli %add3A_335, %mul3A_336 : i32
      %dma_start3A = arith.constant 0 : i32
      %dma_start3A_338 = tpu.memref_slice %arg2[%mul3A_337, %dma_start3A] : memref<100000x64xf32, #tpu.memory_space<hbm>> -> memref<200x64xf32, #tpu.memory_space<hbm>>
      %dma_start3A_339 = arith.constant 0 : i32
      %dma_start3A_340 = tpu.memref_slice %arg2[%mul3A_337, %dma_start3A_339] : memref<100000x64xf32, #tpu.memory_space<hbm>> -> memref<200x64xf32, #tpu.memory_space<hbm>>
      tpu.enqueue_dma source(%dma_start3A_340 : memref<200x64xf32, #tpu.memory_space<hbm>>) target(%arg7 : memref<200x64xf32, #tpu.memory_space<vmem>>) target_semaphore(%arg11 : memref<!tpu.dma_semaphore, #tpu.memory_space<semaphore_mem>>)
    } else {
    }
    %add3A_124 = arith.constant 192 : i32
    %add3A_125 = arith.addi %add3A, %add3A_124 : i32
    %lt3A_126 = arith.constant 500 : i32
    %lt3A_127 = arith.cmpi slt, %add3A_125, %lt3A_126 : i32
    %convert_element_type3A_128 = arith.extui %lt3A_127 : i1 to i32
    %cond3A_129 = arith.constant 0 : i32
    %cond3A_130 = arith.cmpi ne, %convert_element_type3A_128, %cond3A_129 : i32
    scf.if %cond3A_130 {
      %add3A_334 = arith.constant 192 : i32
      %add3A_335 = arith.addi %add3A, %add3A_334 : i32
      %mul3A_336 = arith.constant 200 : i32
      %mul3A_337 = arith.muli %add3A_335, %mul3A_336 : i32
      %dma_wait3A = arith.constant 0 : i32
      %dma_wait3A_338 = tpu.memref_slice %arg2[%mul3A_337, %dma_wait3A] : memref<100000x64xf32, #tpu.memory_space<hbm>> -> memref<200x64xf32, #tpu.memory_space<hbm>>
      %dma_wait3A_339 = arith.constant 0 : i32
      %dma_wait3A_340 = tpu.memref_slice %arg2[%mul3A_337, %dma_wait3A_339] : memref<100000x64xf32, #tpu.memory_space<hbm>> -> memref<200x64xf32, #tpu.memory_space<hbm>>
      tpu.wait_dma2 semaphore(%arg10 : memref<!tpu.dma_semaphore, #tpu.memory_space<semaphore_mem>>) src(%dma_wait3A_340 : memref<200x64xf32, #tpu.memory_space<hbm>>) dst(%arg6 : memref<200x64xf32, #tpu.memory_space<vmem>>)
      %add3A_341 = arith.constant 192 : i32
      %add3A_342 = arith.addi %add3A, %add3A_341 : i32
      %mul3A_343 = arith.constant 200 : i32
      %mul3A_344 = arith.muli %add3A_342, %mul3A_343 : i32
      %dma_start3A = arith.constant 0 : i32
      %dma_start3A_345 = tpu.memref_slice %arg3[%mul3A_344, %dma_start3A] : memref<100000x64xf32, #tpu.memory_space<hbm>> -> memref<200x64xf32, #tpu.memory_space<hbm>>
      %dma_start3A_346 = arith.constant 0 : i32
      %dma_start3A_347 = tpu.memref_slice %arg3[%mul3A_344, %dma_start3A_346] : memref<100000x64xf32, #tpu.memory_space<hbm>> -> memref<200x64xf32, #tpu.memory_space<hbm>>
      tpu.enqueue_dma source(%arg6 : memref<200x64xf32, #tpu.memory_space<vmem>>) target(%dma_start3A_347 : memref<200x64xf32, #tpu.memory_space<hbm>>) target_semaphore(%arg14 : memref<!tpu.dma_semaphore, #tpu.memory_space<semaphore_mem>>)
    } else {
    }
    %add3A_131 = arith.constant 128 : i32
    %add3A_132 = arith.addi %add3A, %add3A_131 : i32
    %lt3A_133 = arith.constant 500 : i32
    %lt3A_134 = arith.cmpi slt, %add3A_132, %lt3A_133 : i32
    %convert_element_type3A_135 = arith.extui %lt3A_134 : i1 to i32
    %cond3A_136 = arith.constant 0 : i32
    %cond3A_137 = arith.cmpi ne, %convert_element_type3A_135, %cond3A_136 : i32
    scf.if %cond3A_137 {
      %add3A_334 = arith.constant 128 : i32
      %add3A_335 = arith.addi %add3A, %add3A_334 : i32
      %mul3A_336 = arith.constant 200 : i32
      %mul3A_337 = arith.muli %add3A_335, %mul3A_336 : i32
      %dma_wait3A = arith.constant 0 : i32
      %dma_wait3A_338 = tpu.memref_slice %arg3[%mul3A_337, %dma_wait3A] : memref<100000x64xf32, #tpu.memory_space<hbm>> -> memref<200x64xf32, #tpu.memory_space<hbm>>
      %dma_wait3A_339 = arith.constant 0 : i32
      %dma_wait3A_340 = tpu.memref_slice %arg3[%mul3A_337, %dma_wait3A_339] : memref<100000x64xf32, #tpu.memory_space<hbm>> -> memref<200x64xf32, #tpu.memory_space<hbm>>
      tpu.wait_dma2 semaphore(%arg12 : memref<!tpu.dma_semaphore, #tpu.memory_space<semaphore_mem>>) src(%arg4 : memref<200x64xf32, #tpu.memory_space<vmem>>) dst(%dma_wait3A_340 : memref<200x64xf32, #tpu.memory_space<hbm>>)
    } else {
    }
    %add3A_138 = arith.constant 256 : i32
    %add3A_139 = arith.addi %add3A, %add3A_138 : i32
    %lt3A_140 = arith.constant 500 : i32
    %lt3A_141 = arith.cmpi slt, %add3A_139, %lt3A_140 : i32
    %convert_element_type3A_142 = arith.extui %lt3A_141 : i1 to i32
    %cond3A_143 = arith.constant 0 : i32
    %cond3A_144 = arith.cmpi ne, %convert_element_type3A_142, %cond3A_143 : i32
    scf.if %cond3A_144 {
      %add3A_334 = arith.constant 256 : i32
      %add3A_335 = arith.addi %add3A, %add3A_334 : i32
      %mul3A_336 = arith.constant 200 : i32
      %mul3A_337 = arith.muli %add3A_335, %mul3A_336 : i32
      %dma_start3A = arith.constant 0 : i32
      %dma_start3A_338 = tpu.memref_slice %arg2[%mul3A_337, %dma_start3A] : memref<100000x64xf32, #tpu.memory_space<hbm>> -> memref<200x64xf32, #tpu.memory_space<hbm>>
      %dma_start3A_339 = arith.constant 0 : i32
      %dma_start3A_340 = tpu.memref_slice %arg2[%mul3A_337, %dma_start3A_339] : memref<100000x64xf32, #tpu.memory_space<hbm>> -> memref<200x64xf32, #tpu.memory_space<hbm>>
      tpu.enqueue_dma source(%dma_start3A_340 : memref<200x64xf32, #tpu.memory_space<hbm>>) target(%arg4 : memref<200x64xf32, #tpu.memory_space<vmem>>) target_semaphore(%arg8 : memref<!tpu.dma_semaphore, #tpu.memory_space<semaphore_mem>>)
    } else {
    }
    %add3A_145 = arith.constant 224 : i32
    %add3A_146 = arith.addi %add3A, %add3A_145 : i32
    %lt3A_147 = arith.constant 500 : i32
    %lt3A_148 = arith.cmpi slt, %add3A_146, %lt3A_147 : i32
    %convert_element_type3A_149 = arith.extui %lt3A_148 : i1 to i32
    %cond3A_150 = arith.constant 0 : i32
    %cond3A_151 = arith.cmpi ne, %convert_element_type3A_149, %cond3A_150 : i32
    scf.if %cond3A_151 {
      %add3A_334 = arith.constant 224 : i32
      %add3A_335 = arith.addi %add3A, %add3A_334 : i32
      %mul3A_336 = arith.constant 200 : i32
      %mul3A_337 = arith.muli %add3A_335, %mul3A_336 : i32
      %dma_wait3A = arith.constant 0 : i32
      %dma_wait3A_338 = tpu.memref_slice %arg2[%mul3A_337, %dma_wait3A] : memref<100000x64xf32, #tpu.memory_space<hbm>> -> memref<200x64xf32, #tpu.memory_space<hbm>>
      %dma_wait3A_339 = arith.constant 0 : i32
      %dma_wait3A_340 = tpu.memref_slice %arg2[%mul3A_337, %dma_wait3A_339] : memref<100000x64xf32, #tpu.memory_space<hbm>> -> memref<200x64xf32, #tpu.memory_space<hbm>>
      tpu.wait_dma2 semaphore(%arg11 : memref<!tpu.dma_semaphore, #tpu.memory_space<semaphore_mem>>) src(%dma_wait3A_340 : memref<200x64xf32, #tpu.memory_space<hbm>>) dst(%arg7 : memref<200x64xf32, #tpu.memory_space<vmem>>)
      %add3A_341 = arith.constant 224 : i32
      %add3A_342 = arith.addi %add3A, %add3A_341 : i32
      %mul3A_343 = arith.constant 200 : i32
      %mul3A_344 = arith.muli %add3A_342, %mul3A_343 : i32
      %dma_start3A = arith.constant 0 : i32
      %dma_start3A_345 = tpu.memref_slice %arg3[%mul3A_344, %dma_start3A] : memref<100000x64xf32, #tpu.memory_space<hbm>> -> memref<200x64xf32, #tpu.memory_space<hbm>>
      %dma_start3A_346 = arith.constant 0 : i32
      %dma_start3A_347 = tpu.memref_slice %arg3[%mul3A_344, %dma_start3A_346] : memref<100000x64xf32, #tpu.memory_space<hbm>> -> memref<200x64xf32, #tpu.memory_space<hbm>>
      tpu.enqueue_dma source(%arg7 : memref<200x64xf32, #tpu.memory_space<vmem>>) target(%dma_start3A_347 : memref<200x64xf32, #tpu.memory_space<hbm>>) target_semaphore(%arg15 : memref<!tpu.dma_semaphore, #tpu.memory_space<semaphore_mem>>)
    } else {
    }
    %add3A_152 = arith.constant 160 : i32
    %add3A_153 = arith.addi %add3A, %add3A_152 : i32
    %lt3A_154 = arith.constant 500 : i32
    %lt3A_155 = arith.cmpi slt, %add3A_153, %lt3A_154 : i32
    %convert_element_type3A_156 = arith.extui %lt3A_155 : i1 to i32
    %cond3A_157 = arith.constant 0 : i32
    %cond3A_158 = arith.cmpi ne, %convert_element_type3A_156, %cond3A_157 : i32
    scf.if %cond3A_158 {
      %add3A_334 = arith.constant 160 : i32
      %add3A_335 = arith.addi %add3A, %add3A_334 : i32
      %mul3A_336 = arith.constant 200 : i32
      %mul3A_337 = arith.muli %add3A_335, %mul3A_336 : i32
      %dma_wait3A = arith.constant 0 : i32
      %dma_wait3A_338 = tpu.memref_slice %arg3[%mul3A_337, %dma_wait3A] : memref<100000x64xf32, #tpu.memory_space<hbm>> -> memref<200x64xf32, #tpu.memory_space<hbm>>
      %dma_wait3A_339 = arith.constant 0 : i32
      %dma_wait3A_340 = tpu.memref_slice %arg3[%mul3A_337, %dma_wait3A_339] : memref<100000x64xf32, #tpu.memory_space<hbm>> -> memref<200x64xf32, #tpu.memory_space<hbm>>
      tpu.wait_dma2 semaphore(%arg13 : memref<!tpu.dma_semaphore, #tpu.memory_space<semaphore_mem>>) src(%arg5 : memref<200x64xf32, #tpu.memory_space<vmem>>) dst(%dma_wait3A_340 : memref<200x64xf32, #tpu.memory_space<hbm>>)
    } else {
    }
    %add3A_159 = arith.constant 288 : i32
    %add3A_160 = arith.addi %add3A, %add3A_159 : i32
    %lt3A_161 = arith.constant 500 : i32
    %lt3A_162 = arith.cmpi slt, %add3A_160, %lt3A_161 : i32
    %convert_element_type3A_163 = arith.extui %lt3A_162 : i1 to i32
    %cond3A_164 = arith.constant 0 : i32
    %cond3A_165 = arith.cmpi ne, %convert_element_type3A_163, %cond3A_164 : i32
    scf.if %cond3A_165 {
      %add3A_334 = arith.constant 288 : i32
      %add3A_335 = arith.addi %add3A, %add3A_334 : i32
      %mul3A_336 = arith.constant 200 : i32
      %mul3A_337 = arith.muli %add3A_335, %mul3A_336 : i32
      %dma_start3A = arith.constant 0 : i32
      %dma_start3A_338 = tpu.memref_slice %arg2[%mul3A_337, %dma_start3A] : memref<100000x64xf32, #tpu.memory_space<hbm>> -> memref<200x64xf32, #tpu.memory_space<hbm>>
      %dma_start3A_339 = arith.constant 0 : i32
      %dma_start3A_340 = tpu.memref_slice %arg2[%mul3A_337, %dma_start3A_339] : memref<100000x64xf32, #tpu.memory_space<hbm>> -> memref<200x64xf32, #tpu.memory_space<hbm>>
      tpu.enqueue_dma source(%dma_start3A_340 : memref<200x64xf32, #tpu.memory_space<hbm>>) target(%arg5 : memref<200x64xf32, #tpu.memory_space<vmem>>) target_semaphore(%arg9 : memref<!tpu.dma_semaphore, #tpu.memory_space<semaphore_mem>>)
    } else {
    }
    %add3A_166 = arith.constant 256 : i32
    %add3A_167 = arith.addi %add3A, %add3A_166 : i32
    %lt3A_168 = arith.constant 500 : i32
    %lt3A_169 = arith.cmpi slt, %add3A_167, %lt3A_168 : i32
    %convert_element_type3A_170 = arith.extui %lt3A_169 : i1 to i32
    %cond3A_171 = arith.constant 0 : i32
    %cond3A_172 = arith.cmpi ne, %convert_element_type3A_170, %cond3A_171 : i32
    scf.if %cond3A_172 {
      %add3A_334 = arith.constant 256 : i32
      %add3A_335 = arith.addi %add3A, %add3A_334 : i32
      %mul3A_336 = arith.constant 200 : i32
      %mul3A_337 = arith.muli %add3A_335, %mul3A_336 : i32
      %dma_wait3A = arith.constant 0 : i32
      %dma_wait3A_338 = tpu.memref_slice %arg2[%mul3A_337, %dma_wait3A] : memref<100000x64xf32, #tpu.memory_space<hbm>> -> memref<200x64xf32, #tpu.memory_space<hbm>>
      %dma_wait3A_339 = arith.constant 0 : i32
      %dma_wait3A_340 = tpu.memref_slice %arg2[%mul3A_337, %dma_wait3A_339] : memref<100000x64xf32, #tpu.memory_space<hbm>> -> memref<200x64xf32, #tpu.memory_space<hbm>>
      tpu.wait_dma2 semaphore(%arg8 : memref<!tpu.dma_semaphore, #tpu.memory_space<semaphore_mem>>) src(%dma_wait3A_340 : memref<200x64xf32, #tpu.memory_space<hbm>>) dst(%arg4 : memref<200x64xf32, #tpu.memory_space<vmem>>)
      %add3A_341 = arith.constant 256 : i32
      %add3A_342 = arith.addi %add3A, %add3A_341 : i32
      %mul3A_343 = arith.constant 200 : i32
      %mul3A_344 = arith.muli %add3A_342, %mul3A_343 : i32
      %dma_start3A = arith.constant 0 : i32
      %dma_start3A_345 = tpu.memref_slice %arg3[%mul3A_344, %dma_start3A] : memref<100000x64xf32, #tpu.memory_space<hbm>> -> memref<200x64xf32, #tpu.memory_space<hbm>>
      %dma_start3A_346 = arith.constant 0 : i32
      %dma_start3A_347 = tpu.memref_slice %arg3[%mul3A_344, %dma_start3A_346] : memref<100000x64xf32, #tpu.memory_space<hbm>> -> memref<200x64xf32, #tpu.memory_space<hbm>>
      tpu.enqueue_dma source(%arg4 : memref<200x64xf32, #tpu.memory_space<vmem>>) target(%dma_start3A_347 : memref<200x64xf32, #tpu.memory_space<hbm>>) target_semaphore(%arg12 : memref<!tpu.dma_semaphore, #tpu.memory_space<semaphore_mem>>)
    } else {
    }
    %add3A_173 = arith.constant 192 : i32
    %add3A_174 = arith.addi %add3A, %add3A_173 : i32
    %lt3A_175 = arith.constant 500 : i32
    %lt3A_176 = arith.cmpi slt, %add3A_174, %lt3A_175 : i32
    %convert_element_type3A_177 = arith.extui %lt3A_176 : i1 to i32
    %cond3A_178 = arith.constant 0 : i32
    %cond3A_179 = arith.cmpi ne, %convert_element_type3A_177, %cond3A_178 : i32
    scf.if %cond3A_179 {
      %add3A_334 = arith.constant 192 : i32
      %add3A_335 = arith.addi %add3A, %add3A_334 : i32
      %mul3A_336 = arith.constant 200 : i32
      %mul3A_337 = arith.muli %add3A_335, %mul3A_336 : i32
      %dma_wait3A = arith.constant 0 : i32
      %dma_wait3A_338 = tpu.memref_slice %arg3[%mul3A_337, %dma_wait3A] : memref<100000x64xf32, #tpu.memory_space<hbm>> -> memref<200x64xf32, #tpu.memory_space<hbm>>
      %dma_wait3A_339 = arith.constant 0 : i32
      %dma_wait3A_340 = tpu.memref_slice %arg3[%mul3A_337, %dma_wait3A_339] : memref<100000x64xf32, #tpu.memory_space<hbm>> -> memref<200x64xf32, #tpu.memory_space<hbm>>
      tpu.wait_dma2 semaphore(%arg14 : memref<!tpu.dma_semaphore, #tpu.memory_space<semaphore_mem>>) src(%arg6 : memref<200x64xf32, #tpu.memory_space<vmem>>) dst(%dma_wait3A_340 : memref<200x64xf32, #tpu.memory_space<hbm>>)
    } else {
    }
    %add3A_180 = arith.constant 320 : i32
    %add3A_181 = arith.addi %add3A, %add3A_180 : i32
    %lt3A_182 = arith.constant 500 : i32
    %lt3A_183 = arith.cmpi slt, %add3A_181, %lt3A_182 : i32
    %convert_element_type3A_184 = arith.extui %lt3A_183 : i1 to i32
    %cond3A_185 = arith.constant 0 : i32
    %cond3A_186 = arith.cmpi ne, %convert_element_type3A_184, %cond3A_185 : i32
    scf.if %cond3A_186 {
      %add3A_334 = arith.constant 320 : i32
      %add3A_335 = arith.addi %add3A, %add3A_334 : i32
      %mul3A_336 = arith.constant 200 : i32
      %mul3A_337 = arith.muli %add3A_335, %mul3A_336 : i32
      %dma_start3A = arith.constant 0 : i32
      %dma_start3A_338 = tpu.memref_slice %arg2[%mul3A_337, %dma_start3A] : memref<100000x64xf32, #tpu.memory_space<hbm>> -> memref<200x64xf32, #tpu.memory_space<hbm>>
      %dma_start3A_339 = arith.constant 0 : i32
      %dma_start3A_340 = tpu.memref_slice %arg2[%mul3A_337, %dma_start3A_339] : memref<100000x64xf32, #tpu.memory_space<hbm>> -> memref<200x64xf32, #tpu.memory_space<hbm>>
      tpu.enqueue_dma source(%dma_start3A_340 : memref<200x64xf32, #tpu.memory_space<hbm>>) target(%arg6 : memref<200x64xf32, #tpu.memory_space<vmem>>) target_semaphore(%arg10 : memref<!tpu.dma_semaphore, #tpu.memory_space<semaphore_mem>>)
    } else {
    }
    %add3A_187 = arith.constant 288 : i32
    %add3A_188 = arith.addi %add3A, %add3A_187 : i32
    %lt3A_189 = arith.constant 500 : i32
    %lt3A_190 = arith.cmpi slt, %add3A_188, %lt3A_189 : i32
    %convert_element_type3A_191 = arith.extui %lt3A_190 : i1 to i32
    %cond3A_192 = arith.constant 0 : i32
    %cond3A_193 = arith.cmpi ne, %convert_element_type3A_191, %cond3A_192 : i32
    scf.if %cond3A_193 {
      %add3A_334 = arith.constant 288 : i32
      %add3A_335 = arith.addi %add3A, %add3A_334 : i32
      %mul3A_336 = arith.constant 200 : i32
      %mul3A_337 = arith.muli %add3A_335, %mul3A_336 : i32
      %dma_wait3A = arith.constant 0 : i32
      %dma_wait3A_338 = tpu.memref_slice %arg2[%mul3A_337, %dma_wait3A] : memref<100000x64xf32, #tpu.memory_space<hbm>> -> memref<200x64xf32, #tpu.memory_space<hbm>>
      %dma_wait3A_339 = arith.constant 0 : i32
      %dma_wait3A_340 = tpu.memref_slice %arg2[%mul3A_337, %dma_wait3A_339] : memref<100000x64xf32, #tpu.memory_space<hbm>> -> memref<200x64xf32, #tpu.memory_space<hbm>>
      tpu.wait_dma2 semaphore(%arg9 : memref<!tpu.dma_semaphore, #tpu.memory_space<semaphore_mem>>) src(%dma_wait3A_340 : memref<200x64xf32, #tpu.memory_space<hbm>>) dst(%arg5 : memref<200x64xf32, #tpu.memory_space<vmem>>)
      %add3A_341 = arith.constant 288 : i32
      %add3A_342 = arith.addi %add3A, %add3A_341 : i32
      %mul3A_343 = arith.constant 200 : i32
      %mul3A_344 = arith.muli %add3A_342, %mul3A_343 : i32
      %dma_start3A = arith.constant 0 : i32
      %dma_start3A_345 = tpu.memref_slice %arg3[%mul3A_344, %dma_start3A] : memref<100000x64xf32, #tpu.memory_space<hbm>> -> memref<200x64xf32, #tpu.memory_space<hbm>>
      %dma_start3A_346 = arith.constant 0 : i32
      %dma_start3A_347 = tpu.memref_slice %arg3[%mul3A_344, %dma_start3A_346] : memref<100000x64xf32, #tpu.memory_space<hbm>> -> memref<200x64xf32, #tpu.memory_space<hbm>>
      tpu.enqueue_dma source(%arg5 : memref<200x64xf32, #tpu.memory_space<vmem>>) target(%dma_start3A_347 : memref<200x64xf32, #tpu.memory_space<hbm>>) target_semaphore(%arg13 : memref<!tpu.dma_semaphore, #tpu.memory_space<semaphore_mem>>)
    } else {
    }
    %add3A_194 = arith.constant 224 : i32
    %add3A_195 = arith.addi %add3A, %add3A_194 : i32
    %lt3A_196 = arith.constant 500 : i32
    %lt3A_197 = arith.cmpi slt, %add3A_195, %lt3A_196 : i32
    %convert_element_type3A_198 = arith.extui %lt3A_197 : i1 to i32
    %cond3A_199 = arith.constant 0 : i32
    %cond3A_200 = arith.cmpi ne, %convert_element_type3A_198, %cond3A_199 : i32
    scf.if %cond3A_200 {
      %add3A_334 = arith.constant 224 : i32
      %add3A_335 = arith.addi %add3A, %add3A_334 : i32
      %mul3A_336 = arith.constant 200 : i32
      %mul3A_337 = arith.muli %add3A_335, %mul3A_336 : i32
      %dma_wait3A = arith.constant 0 : i32
      %dma_wait3A_338 = tpu.memref_slice %arg3[%mul3A_337, %dma_wait3A] : memref<100000x64xf32, #tpu.memory_space<hbm>> -> memref<200x64xf32, #tpu.memory_space<hbm>>
      %dma_wait3A_339 = arith.constant 0 : i32
      %dma_wait3A_340 = tpu.memref_slice %arg3[%mul3A_337, %dma_wait3A_339] : memref<100000x64xf32, #tpu.memory_space<hbm>> -> memref<200x64xf32, #tpu.memory_space<hbm>>
      tpu.wait_dma2 semaphore(%arg15 : memref<!tpu.dma_semaphore, #tpu.memory_space<semaphore_mem>>) src(%arg7 : memref<200x64xf32, #tpu.memory_space<vmem>>) dst(%dma_wait3A_340 : memref<200x64xf32, #tpu.memory_space<hbm>>)
    } else {
    }
    %add3A_201 = arith.constant 352 : i32
    %add3A_202 = arith.addi %add3A, %add3A_201 : i32
    %lt3A_203 = arith.constant 500 : i32
    %lt3A_204 = arith.cmpi slt, %add3A_202, %lt3A_203 : i32
    %convert_element_type3A_205 = arith.extui %lt3A_204 : i1 to i32
    %cond3A_206 = arith.constant 0 : i32
    %cond3A_207 = arith.cmpi ne, %convert_element_type3A_205, %cond3A_206 : i32
    scf.if %cond3A_207 {
      %add3A_334 = arith.constant 352 : i32
      %add3A_335 = arith.addi %add3A, %add3A_334 : i32
      %mul3A_336 = arith.constant 200 : i32
      %mul3A_337 = arith.muli %add3A_335, %mul3A_336 : i32
      %dma_start3A = arith.constant 0 : i32
      %dma_start3A_338 = tpu.memref_slice %arg2[%mul3A_337, %dma_start3A] : memref<100000x64xf32, #tpu.memory_space<hbm>> -> memref<200x64xf32, #tpu.memory_space<hbm>>
      %dma_start3A_339 = arith.constant 0 : i32
      %dma_start3A_340 = tpu.memref_slice %arg2[%mul3A_337, %dma_start3A_339] : memref<100000x64xf32, #tpu.memory_space<hbm>> -> memref<200x64xf32, #tpu.memory_space<hbm>>
      tpu.enqueue_dma source(%dma_start3A_340 : memref<200x64xf32, #tpu.memory_space<hbm>>) target(%arg7 : memref<200x64xf32, #tpu.memory_space<vmem>>) target_semaphore(%arg11 : memref<!tpu.dma_semaphore, #tpu.memory_space<semaphore_mem>>)
    } else {
    }
    %add3A_208 = arith.constant 320 : i32
    %add3A_209 = arith.addi %add3A, %add3A_208 : i32
    %lt3A_210 = arith.constant 500 : i32
    %lt3A_211 = arith.cmpi slt, %add3A_209, %lt3A_210 : i32
    %convert_element_type3A_212 = arith.extui %lt3A_211 : i1 to i32
    %cond3A_213 = arith.constant 0 : i32
    %cond3A_214 = arith.cmpi ne, %convert_element_type3A_212, %cond3A_213 : i32
    scf.if %cond3A_214 {
      %add3A_334 = arith.constant 320 : i32
      %add3A_335 = arith.addi %add3A, %add3A_334 : i32
      %mul3A_336 = arith.constant 200 : i32
      %mul3A_337 = arith.muli %add3A_335, %mul3A_336 : i32
      %dma_wait3A = arith.constant 0 : i32
      %dma_wait3A_338 = tpu.memref_slice %arg2[%mul3A_337, %dma_wait3A] : memref<100000x64xf32, #tpu.memory_space<hbm>> -> memref<200x64xf32, #tpu.memory_space<hbm>>
      %dma_wait3A_339 = arith.constant 0 : i32
      %dma_wait3A_340 = tpu.memref_slice %arg2[%mul3A_337, %dma_wait3A_339] : memref<100000x64xf32, #tpu.memory_space<hbm>> -> memref<200x64xf32, #tpu.memory_space<hbm>>
      tpu.wait_dma2 semaphore(%arg10 : memref<!tpu.dma_semaphore, #tpu.memory_space<semaphore_mem>>) src(%dma_wait3A_340 : memref<200x64xf32, #tpu.memory_space<hbm>>) dst(%arg6 : memref<200x64xf32, #tpu.memory_space<vmem>>)
      %add3A_341 = arith.constant 320 : i32
      %add3A_342 = arith.addi %add3A, %add3A_341 : i32
      %mul3A_343 = arith.constant 200 : i32
      %mul3A_344 = arith.muli %add3A_342, %mul3A_343 : i32
      %dma_start3A = arith.constant 0 : i32
      %dma_start3A_345 = tpu.memref_slice %arg3[%mul3A_344, %dma_start3A] : memref<100000x64xf32, #tpu.memory_space<hbm>> -> memref<200x64xf32, #tpu.memory_space<hbm>>
      %dma_start3A_346 = arith.constant 0 : i32
      %dma_start3A_347 = tpu.memref_slice %arg3[%mul3A_344, %dma_start3A_346] : memref<100000x64xf32, #tpu.memory_space<hbm>> -> memref<200x64xf32, #tpu.memory_space<hbm>>
      tpu.enqueue_dma source(%arg6 : memref<200x64xf32, #tpu.memory_space<vmem>>) target(%dma_start3A_347 : memref<200x64xf32, #tpu.memory_space<hbm>>) target_semaphore(%arg14 : memref<!tpu.dma_semaphore, #tpu.memory_space<semaphore_mem>>)
    } else {
    }
    %add3A_215 = arith.constant 256 : i32
    %add3A_216 = arith.addi %add3A, %add3A_215 : i32
    %lt3A_217 = arith.constant 500 : i32
    %lt3A_218 = arith.cmpi slt, %add3A_216, %lt3A_217 : i32
    %convert_element_type3A_219 = arith.extui %lt3A_218 : i1 to i32
    %cond3A_220 = arith.constant 0 : i32
    %cond3A_221 = arith.cmpi ne, %convert_element_type3A_219, %cond3A_220 : i32
    scf.if %cond3A_221 {
      %add3A_334 = arith.constant 256 : i32
      %add3A_335 = arith.addi %add3A, %add3A_334 : i32
      %mul3A_336 = arith.constant 200 : i32
      %mul3A_337 = arith.muli %add3A_335, %mul3A_336 : i32
      %dma_wait3A = arith.constant 0 : i32
      %dma_wait3A_338 = tpu.memref_slice %arg3[%mul3A_337, %dma_wait3A] : memref<100000x64xf32, #tpu.memory_space<hbm>> -> memref<200x64xf32, #tpu.memory_space<hbm>>
      %dma_wait3A_339 = arith.constant 0 : i32
      %dma_wait3A_340 = tpu.memref_slice %arg3[%mul3A_337, %dma_wait3A_339] : memref<100000x64xf32, #tpu.memory_space<hbm>> -> memref<200x64xf32, #tpu.memory_space<hbm>>
      tpu.wait_dma2 semaphore(%arg12 : memref<!tpu.dma_semaphore, #tpu.memory_space<semaphore_mem>>) src(%arg4 : memref<200x64xf32, #tpu.memory_space<vmem>>) dst(%dma_wait3A_340 : memref<200x64xf32, #tpu.memory_space<hbm>>)
    } else {
    }
    %add3A_222 = arith.constant 384 : i32
    %add3A_223 = arith.addi %add3A, %add3A_222 : i32
    %lt3A_224 = arith.constant 500 : i32
    %lt3A_225 = arith.cmpi slt, %add3A_223, %lt3A_224 : i32
    %convert_element_type3A_226 = arith.extui %lt3A_225 : i1 to i32
    %cond3A_227 = arith.constant 0 : i32
    %cond3A_228 = arith.cmpi ne, %convert_element_type3A_226, %cond3A_227 : i32
    scf.if %cond3A_228 {
      %add3A_334 = arith.constant 384 : i32
      %add3A_335 = arith.addi %add3A, %add3A_334 : i32
      %mul3A_336 = arith.constant 200 : i32
      %mul3A_337 = arith.muli %add3A_335, %mul3A_336 : i32
      %dma_start3A = arith.constant 0 : i32
      %dma_start3A_338 = tpu.memref_slice %arg2[%mul3A_337, %dma_start3A] : memref<100000x64xf32, #tpu.memory_space<hbm>> -> memref<200x64xf32, #tpu.memory_space<hbm>>
      %dma_start3A_339 = arith.constant 0 : i32
      %dma_start3A_340 = tpu.memref_slice %arg2[%mul3A_337, %dma_start3A_339] : memref<100000x64xf32, #tpu.memory_space<hbm>> -> memref<200x64xf32, #tpu.memory_space<hbm>>
      tpu.enqueue_dma source(%dma_start3A_340 : memref<200x64xf32, #tpu.memory_space<hbm>>) target(%arg4 : memref<200x64xf32, #tpu.memory_space<vmem>>) target_semaphore(%arg8 : memref<!tpu.dma_semaphore, #tpu.memory_space<semaphore_mem>>)
    } else {
    }
    %add3A_229 = arith.constant 352 : i32
    %add3A_230 = arith.addi %add3A, %add3A_229 : i32
    %lt3A_231 = arith.constant 500 : i32
    %lt3A_232 = arith.cmpi slt, %add3A_230, %lt3A_231 : i32
    %convert_element_type3A_233 = arith.extui %lt3A_232 : i1 to i32
    %cond3A_234 = arith.constant 0 : i32
    %cond3A_235 = arith.cmpi ne, %convert_element_type3A_233, %cond3A_234 : i32
    scf.if %cond3A_235 {
      %add3A_334 = arith.constant 352 : i32
      %add3A_335 = arith.addi %add3A, %add3A_334 : i32
      %mul3A_336 = arith.constant 200 : i32
      %mul3A_337 = arith.muli %add3A_335, %mul3A_336 : i32
      %dma_wait3A = arith.constant 0 : i32
      %dma_wait3A_338 = tpu.memref_slice %arg2[%mul3A_337, %dma_wait3A] : memref<100000x64xf32, #tpu.memory_space<hbm>> -> memref<200x64xf32, #tpu.memory_space<hbm>>
      %dma_wait3A_339 = arith.constant 0 : i32
      %dma_wait3A_340 = tpu.memref_slice %arg2[%mul3A_337, %dma_wait3A_339] : memref<100000x64xf32, #tpu.memory_space<hbm>> -> memref<200x64xf32, #tpu.memory_space<hbm>>
      tpu.wait_dma2 semaphore(%arg11 : memref<!tpu.dma_semaphore, #tpu.memory_space<semaphore_mem>>) src(%dma_wait3A_340 : memref<200x64xf32, #tpu.memory_space<hbm>>) dst(%arg7 : memref<200x64xf32, #tpu.memory_space<vmem>>)
      %add3A_341 = arith.constant 352 : i32
      %add3A_342 = arith.addi %add3A, %add3A_341 : i32
      %mul3A_343 = arith.constant 200 : i32
      %mul3A_344 = arith.muli %add3A_342, %mul3A_343 : i32
      %dma_start3A = arith.constant 0 : i32
      %dma_start3A_345 = tpu.memref_slice %arg3[%mul3A_344, %dma_start3A] : memref<100000x64xf32, #tpu.memory_space<hbm>> -> memref<200x64xf32, #tpu.memory_space<hbm>>
      %dma_start3A_346 = arith.constant 0 : i32
      %dma_start3A_347 = tpu.memref_slice %arg3[%mul3A_344, %dma_start3A_346] : memref<100000x64xf32, #tpu.memory_space<hbm>> -> memref<200x64xf32, #tpu.memory_space<hbm>>
      tpu.enqueue_dma source(%arg7 : memref<200x64xf32, #tpu.memory_space<vmem>>) target(%dma_start3A_347 : memref<200x64xf32, #tpu.memory_space<hbm>>) target_semaphore(%arg15 : memref<!tpu.dma_semaphore, #tpu.memory_space<semaphore_mem>>)
    } else {
    }
    %add3A_236 = arith.constant 288 : i32
    %add3A_237 = arith.addi %add3A, %add3A_236 : i32
    %lt3A_238 = arith.constant 500 : i32
    %lt3A_239 = arith.cmpi slt, %add3A_237, %lt3A_238 : i32
    %convert_element_type3A_240 = arith.extui %lt3A_239 : i1 to i32
    %cond3A_241 = arith.constant 0 : i32
    %cond3A_242 = arith.cmpi ne, %convert_element_type3A_240, %cond3A_241 : i32
    scf.if %cond3A_242 {
      %add3A_334 = arith.constant 288 : i32
      %add3A_335 = arith.addi %add3A, %add3A_334 : i32
      %mul3A_336 = arith.constant 200 : i32
      %mul3A_337 = arith.muli %add3A_335, %mul3A_336 : i32
      %dma_wait3A = arith.constant 0 : i32
      %dma_wait3A_338 = tpu.memref_slice %arg3[%mul3A_337, %dma_wait3A] : memref<100000x64xf32, #tpu.memory_space<hbm>> -> memref<200x64xf32, #tpu.memory_space<hbm>>
      %dma_wait3A_339 = arith.constant 0 : i32
      %dma_wait3A_340 = tpu.memref_slice %arg3[%mul3A_337, %dma_wait3A_339] : memref<100000x64xf32, #tpu.memory_space<hbm>> -> memref<200x64xf32, #tpu.memory_space<hbm>>
      tpu.wait_dma2 semaphore(%arg13 : memref<!tpu.dma_semaphore, #tpu.memory_space<semaphore_mem>>) src(%arg5 : memref<200x64xf32, #tpu.memory_space<vmem>>) dst(%dma_wait3A_340 : memref<200x64xf32, #tpu.memory_space<hbm>>)
    } else {
    }
    %add3A_243 = arith.constant 416 : i32
    %add3A_244 = arith.addi %add3A, %add3A_243 : i32
    %lt3A_245 = arith.constant 500 : i32
    %lt3A_246 = arith.cmpi slt, %add3A_244, %lt3A_245 : i32
    %convert_element_type3A_247 = arith.extui %lt3A_246 : i1 to i32
    %cond3A_248 = arith.constant 0 : i32
    %cond3A_249 = arith.cmpi ne, %convert_element_type3A_247, %cond3A_248 : i32
    scf.if %cond3A_249 {
      %add3A_334 = arith.constant 416 : i32
      %add3A_335 = arith.addi %add3A, %add3A_334 : i32
      %mul3A_336 = arith.constant 200 : i32
      %mul3A_337 = arith.muli %add3A_335, %mul3A_336 : i32
      %dma_start3A = arith.constant 0 : i32
      %dma_start3A_338 = tpu.memref_slice %arg2[%mul3A_337, %dma_start3A] : memref<100000x64xf32, #tpu.memory_space<hbm>> -> memref<200x64xf32, #tpu.memory_space<hbm>>
      %dma_start3A_339 = arith.constant 0 : i32
      %dma_start3A_340 = tpu.memref_slice %arg2[%mul3A_337, %dma_start3A_339] : memref<100000x64xf32, #tpu.memory_space<hbm>> -> memref<200x64xf32, #tpu.memory_space<hbm>>
      tpu.enqueue_dma source(%dma_start3A_340 : memref<200x64xf32, #tpu.memory_space<hbm>>) target(%arg5 : memref<200x64xf32, #tpu.memory_space<vmem>>) target_semaphore(%arg9 : memref<!tpu.dma_semaphore, #tpu.memory_space<semaphore_mem>>)
    } else {
    }
    %add3A_250 = arith.constant 384 : i32
    %add3A_251 = arith.addi %add3A, %add3A_250 : i32
    %lt3A_252 = arith.constant 500 : i32
    %lt3A_253 = arith.cmpi slt, %add3A_251, %lt3A_252 : i32
    %convert_element_type3A_254 = arith.extui %lt3A_253 : i1 to i32
    %cond3A_255 = arith.constant 0 : i32
    %cond3A_256 = arith.cmpi ne, %convert_element_type3A_254, %cond3A_255 : i32
    scf.if %cond3A_256 {
      %add3A_334 = arith.constant 384 : i32
      %add3A_335 = arith.addi %add3A, %add3A_334 : i32
      %mul3A_336 = arith.constant 200 : i32
      %mul3A_337 = arith.muli %add3A_335, %mul3A_336 : i32
      %dma_wait3A = arith.constant 0 : i32
      %dma_wait3A_338 = tpu.memref_slice %arg2[%mul3A_337, %dma_wait3A] : memref<100000x64xf32, #tpu.memory_space<hbm>> -> memref<200x64xf32, #tpu.memory_space<hbm>>
      %dma_wait3A_339 = arith.constant 0 : i32
      %dma_wait3A_340 = tpu.memref_slice %arg2[%mul3A_337, %dma_wait3A_339] : memref<100000x64xf32, #tpu.memory_space<hbm>> -> memref<200x64xf32, #tpu.memory_space<hbm>>
      tpu.wait_dma2 semaphore(%arg8 : memref<!tpu.dma_semaphore, #tpu.memory_space<semaphore_mem>>) src(%dma_wait3A_340 : memref<200x64xf32, #tpu.memory_space<hbm>>) dst(%arg4 : memref<200x64xf32, #tpu.memory_space<vmem>>)
      %add3A_341 = arith.constant 384 : i32
      %add3A_342 = arith.addi %add3A, %add3A_341 : i32
      %mul3A_343 = arith.constant 200 : i32
      %mul3A_344 = arith.muli %add3A_342, %mul3A_343 : i32
      %dma_start3A = arith.constant 0 : i32
      %dma_start3A_345 = tpu.memref_slice %arg3[%mul3A_344, %dma_start3A] : memref<100000x64xf32, #tpu.memory_space<hbm>> -> memref<200x64xf32, #tpu.memory_space<hbm>>
      %dma_start3A_346 = arith.constant 0 : i32
      %dma_start3A_347 = tpu.memref_slice %arg3[%mul3A_344, %dma_start3A_346] : memref<100000x64xf32, #tpu.memory_space<hbm>> -> memref<200x64xf32, #tpu.memory_space<hbm>>
      tpu.enqueue_dma source(%arg4 : memref<200x64xf32, #tpu.memory_space<vmem>>) target(%dma_start3A_347 : memref<200x64xf32, #tpu.memory_space<hbm>>) target_semaphore(%arg12 : memref<!tpu.dma_semaphore, #tpu.memory_space<semaphore_mem>>)
    } else {
    }
    %add3A_257 = arith.constant 320 : i32
    %add3A_258 = arith.addi %add3A, %add3A_257 : i32
    %lt3A_259 = arith.constant 500 : i32
    %lt3A_260 = arith.cmpi slt, %add3A_258, %lt3A_259 : i32
    %convert_element_type3A_261 = arith.extui %lt3A_260 : i1 to i32
    %cond3A_262 = arith.constant 0 : i32
    %cond3A_263 = arith.cmpi ne, %convert_element_type3A_261, %cond3A_262 : i32
    scf.if %cond3A_263 {
      %add3A_334 = arith.constant 320 : i32
      %add3A_335 = arith.addi %add3A, %add3A_334 : i32
      %mul3A_336 = arith.constant 200 : i32
      %mul3A_337 = arith.muli %add3A_335, %mul3A_336 : i32
      %dma_wait3A = arith.constant 0 : i32
      %dma_wait3A_338 = tpu.memref_slice %arg3[%mul3A_337, %dma_wait3A] : memref<100000x64xf32, #tpu.memory_space<hbm>> -> memref<200x64xf32, #tpu.memory_space<hbm>>
      %dma_wait3A_339 = arith.constant 0 : i32
      %dma_wait3A_340 = tpu.memref_slice %arg3[%mul3A_337, %dma_wait3A_339] : memref<100000x64xf32, #tpu.memory_space<hbm>> -> memref<200x64xf32, #tpu.memory_space<hbm>>
      tpu.wait_dma2 semaphore(%arg14 : memref<!tpu.dma_semaphore, #tpu.memory_space<semaphore_mem>>) src(%arg6 : memref<200x64xf32, #tpu.memory_space<vmem>>) dst(%dma_wait3A_340 : memref<200x64xf32, #tpu.memory_space<hbm>>)
    } else {
    }
    %add3A_264 = arith.constant 448 : i32
    %add3A_265 = arith.addi %add3A, %add3A_264 : i32
    %lt3A_266 = arith.constant 500 : i32
    %lt3A_267 = arith.cmpi slt, %add3A_265, %lt3A_266 : i32
    %convert_element_type3A_268 = arith.extui %lt3A_267 : i1 to i32
    %cond3A_269 = arith.constant 0 : i32
    %cond3A_270 = arith.cmpi ne, %convert_element_type3A_268, %cond3A_269 : i32
    scf.if %cond3A_270 {
      %add3A_334 = arith.constant 448 : i32
      %add3A_335 = arith.addi %add3A, %add3A_334 : i32
      %mul3A_336 = arith.constant 200 : i32
      %mul3A_337 = arith.muli %add3A_335, %mul3A_336 : i32
      %dma_start3A = arith.constant 0 : i32
      %dma_start3A_338 = tpu.memref_slice %arg2[%mul3A_337, %dma_start3A] : memref<100000x64xf32, #tpu.memory_space<hbm>> -> memref<200x64xf32, #tpu.memory_space<hbm>>
      %dma_start3A_339 = arith.constant 0 : i32
      %dma_start3A_340 = tpu.memref_slice %arg2[%mul3A_337, %dma_start3A_339] : memref<100000x64xf32, #tpu.memory_space<hbm>> -> memref<200x64xf32, #tpu.memory_space<hbm>>
      tpu.enqueue_dma source(%dma_start3A_340 : memref<200x64xf32, #tpu.memory_space<hbm>>) target(%arg6 : memref<200x64xf32, #tpu.memory_space<vmem>>) target_semaphore(%arg10 : memref<!tpu.dma_semaphore, #tpu.memory_space<semaphore_mem>>)
    } else {
    }
    %add3A_271 = arith.constant 416 : i32
    %add3A_272 = arith.addi %add3A, %add3A_271 : i32
    %lt3A_273 = arith.constant 500 : i32
    %lt3A_274 = arith.cmpi slt, %add3A_272, %lt3A_273 : i32
    %convert_element_type3A_275 = arith.extui %lt3A_274 : i1 to i32
    %cond3A_276 = arith.constant 0 : i32
    %cond3A_277 = arith.cmpi ne, %convert_element_type3A_275, %cond3A_276 : i32
    scf.if %cond3A_277 {
      %add3A_334 = arith.constant 416 : i32
      %add3A_335 = arith.addi %add3A, %add3A_334 : i32
      %mul3A_336 = arith.constant 200 : i32
      %mul3A_337 = arith.muli %add3A_335, %mul3A_336 : i32
      %dma_wait3A = arith.constant 0 : i32
      %dma_wait3A_338 = tpu.memref_slice %arg2[%mul3A_337, %dma_wait3A] : memref<100000x64xf32, #tpu.memory_space<hbm>> -> memref<200x64xf32, #tpu.memory_space<hbm>>
      %dma_wait3A_339 = arith.constant 0 : i32
      %dma_wait3A_340 = tpu.memref_slice %arg2[%mul3A_337, %dma_wait3A_339] : memref<100000x64xf32, #tpu.memory_space<hbm>> -> memref<200x64xf32, #tpu.memory_space<hbm>>
      tpu.wait_dma2 semaphore(%arg9 : memref<!tpu.dma_semaphore, #tpu.memory_space<semaphore_mem>>) src(%dma_wait3A_340 : memref<200x64xf32, #tpu.memory_space<hbm>>) dst(%arg5 : memref<200x64xf32, #tpu.memory_space<vmem>>)
      %add3A_341 = arith.constant 416 : i32
      %add3A_342 = arith.addi %add3A, %add3A_341 : i32
      %mul3A_343 = arith.constant 200 : i32
      %mul3A_344 = arith.muli %add3A_342, %mul3A_343 : i32
      %dma_start3A = arith.constant 0 : i32
      %dma_start3A_345 = tpu.memref_slice %arg3[%mul3A_344, %dma_start3A] : memref<100000x64xf32, #tpu.memory_space<hbm>> -> memref<200x64xf32, #tpu.memory_space<hbm>>
      %dma_start3A_346 = arith.constant 0 : i32
      %dma_start3A_347 = tpu.memref_slice %arg3[%mul3A_344, %dma_start3A_346] : memref<100000x64xf32, #tpu.memory_space<hbm>> -> memref<200x64xf32, #tpu.memory_space<hbm>>
      tpu.enqueue_dma source(%arg5 : memref<200x64xf32, #tpu.memory_space<vmem>>) target(%dma_start3A_347 : memref<200x64xf32, #tpu.memory_space<hbm>>) target_semaphore(%arg13 : memref<!tpu.dma_semaphore, #tpu.memory_space<semaphore_mem>>)
    } else {
    }
    %add3A_278 = arith.constant 352 : i32
    %add3A_279 = arith.addi %add3A, %add3A_278 : i32
    %lt3A_280 = arith.constant 500 : i32
    %lt3A_281 = arith.cmpi slt, %add3A_279, %lt3A_280 : i32
    %convert_element_type3A_282 = arith.extui %lt3A_281 : i1 to i32
    %cond3A_283 = arith.constant 0 : i32
    %cond3A_284 = arith.cmpi ne, %convert_element_type3A_282, %cond3A_283 : i32
    scf.if %cond3A_284 {
      %add3A_334 = arith.constant 352 : i32
      %add3A_335 = arith.addi %add3A, %add3A_334 : i32
      %mul3A_336 = arith.constant 200 : i32
      %mul3A_337 = arith.muli %add3A_335, %mul3A_336 : i32
      %dma_wait3A = arith.constant 0 : i32
      %dma_wait3A_338 = tpu.memref_slice %arg3[%mul3A_337, %dma_wait3A] : memref<100000x64xf32, #tpu.memory_space<hbm>> -> memref<200x64xf32, #tpu.memory_space<hbm>>
      %dma_wait3A_339 = arith.constant 0 : i32
      %dma_wait3A_340 = tpu.memref_slice %arg3[%mul3A_337, %dma_wait3A_339] : memref<100000x64xf32, #tpu.memory_space<hbm>> -> memref<200x64xf32, #tpu.memory_space<hbm>>
      tpu.wait_dma2 semaphore(%arg15 : memref<!tpu.dma_semaphore, #tpu.memory_space<semaphore_mem>>) src(%arg7 : memref<200x64xf32, #tpu.memory_space<vmem>>) dst(%dma_wait3A_340 : memref<200x64xf32, #tpu.memory_space<hbm>>)
    } else {
    }
    %add3A_285 = arith.constant 480 : i32
    %add3A_286 = arith.addi %add3A, %add3A_285 : i32
    %lt3A_287 = arith.constant 500 : i32
    %lt3A_288 = arith.cmpi slt, %add3A_286, %lt3A_287 : i32
    %convert_element_type3A_289 = arith.extui %lt3A_288 : i1 to i32
    %cond3A_290 = arith.constant 0 : i32
    %cond3A_291 = arith.cmpi ne, %convert_element_type3A_289, %cond3A_290 : i32
    scf.if %cond3A_291 {
      %add3A_334 = arith.constant 480 : i32
      %add3A_335 = arith.addi %add3A, %add3A_334 : i32
      %mul3A_336 = arith.constant 200 : i32
      %mul3A_337 = arith.muli %add3A_335, %mul3A_336 : i32
      %dma_start3A = arith.constant 0 : i32
      %dma_start3A_338 = tpu.memref_slice %arg2[%mul3A_337, %dma_start3A] : memref<100000x64xf32, #tpu.memory_space<hbm>> -> memref<200x64xf32, #tpu.memory_space<hbm>>
      %dma_start3A_339 = arith.constant 0 : i32
      %dma_start3A_340 = tpu.memref_slice %arg2[%mul3A_337, %dma_start3A_339] : memref<100000x64xf32, #tpu.memory_space<hbm>> -> memref<200x64xf32, #tpu.memory_space<hbm>>
      tpu.enqueue_dma source(%dma_start3A_340 : memref<200x64xf32, #tpu.memory_space<hbm>>) target(%arg7 : memref<200x64xf32, #tpu.memory_space<vmem>>) target_semaphore(%arg11 : memref<!tpu.dma_semaphore, #tpu.memory_space<semaphore_mem>>)
    } else {
    }
    %add3A_292 = arith.constant 448 : i32
    %add3A_293 = arith.addi %add3A, %add3A_292 : i32
    %lt3A_294 = arith.constant 500 : i32
    %lt3A_295 = arith.cmpi slt, %add3A_293, %lt3A_294 : i32
    %convert_element_type3A_296 = arith.extui %lt3A_295 : i1 to i32
    %cond3A_297 = arith.constant 0 : i32
    %cond3A_298 = arith.cmpi ne, %convert_element_type3A_296, %cond3A_297 : i32
    scf.if %cond3A_298 {
      %add3A_334 = arith.constant 448 : i32
      %add3A_335 = arith.addi %add3A, %add3A_334 : i32
      %mul3A_336 = arith.constant 200 : i32
      %mul3A_337 = arith.muli %add3A_335, %mul3A_336 : i32
      %dma_wait3A = arith.constant 0 : i32
      %dma_wait3A_338 = tpu.memref_slice %arg2[%mul3A_337, %dma_wait3A] : memref<100000x64xf32, #tpu.memory_space<hbm>> -> memref<200x64xf32, #tpu.memory_space<hbm>>
      %dma_wait3A_339 = arith.constant 0 : i32
      %dma_wait3A_340 = tpu.memref_slice %arg2[%mul3A_337, %dma_wait3A_339] : memref<100000x64xf32, #tpu.memory_space<hbm>> -> memref<200x64xf32, #tpu.memory_space<hbm>>
      tpu.wait_dma2 semaphore(%arg10 : memref<!tpu.dma_semaphore, #tpu.memory_space<semaphore_mem>>) src(%dma_wait3A_340 : memref<200x64xf32, #tpu.memory_space<hbm>>) dst(%arg6 : memref<200x64xf32, #tpu.memory_space<vmem>>)
      %add3A_341 = arith.constant 448 : i32
      %add3A_342 = arith.addi %add3A, %add3A_341 : i32
      %mul3A_343 = arith.constant 200 : i32
      %mul3A_344 = arith.muli %add3A_342, %mul3A_343 : i32
      %dma_start3A = arith.constant 0 : i32
      %dma_start3A_345 = tpu.memref_slice %arg3[%mul3A_344, %dma_start3A] : memref<100000x64xf32, #tpu.memory_space<hbm>> -> memref<200x64xf32, #tpu.memory_space<hbm>>
      %dma_start3A_346 = arith.constant 0 : i32
      %dma_start3A_347 = tpu.memref_slice %arg3[%mul3A_344, %dma_start3A_346] : memref<100000x64xf32, #tpu.memory_space<hbm>> -> memref<200x64xf32, #tpu.memory_space<hbm>>
      tpu.enqueue_dma source(%arg6 : memref<200x64xf32, #tpu.memory_space<vmem>>) target(%dma_start3A_347 : memref<200x64xf32, #tpu.memory_space<hbm>>) target_semaphore(%arg14 : memref<!tpu.dma_semaphore, #tpu.memory_space<semaphore_mem>>)
    } else {
    }
    %add3A_299 = arith.constant 480 : i32
    %add3A_300 = arith.addi %add3A, %add3A_299 : i32
    %lt3A_301 = arith.constant 500 : i32
    %lt3A_302 = arith.cmpi slt, %add3A_300, %lt3A_301 : i32
    %convert_element_type3A_303 = arith.extui %lt3A_302 : i1 to i32
    %cond3A_304 = arith.constant 0 : i32
    %cond3A_305 = arith.cmpi ne, %convert_element_type3A_303, %cond3A_304 : i32
    scf.if %cond3A_305 {
      %add3A_334 = arith.constant 480 : i32
      %add3A_335 = arith.addi %add3A, %add3A_334 : i32
      %mul3A_336 = arith.constant 200 : i32
      %mul3A_337 = arith.muli %add3A_335, %mul3A_336 : i32
      %dma_wait3A = arith.constant 0 : i32
      %dma_wait3A_338 = tpu.memref_slice %arg2[%mul3A_337, %dma_wait3A] : memref<100000x64xf32, #tpu.memory_space<hbm>> -> memref<200x64xf32, #tpu.memory_space<hbm>>
      %dma_wait3A_339 = arith.constant 0 : i32
      %dma_wait3A_340 = tpu.memref_slice %arg2[%mul3A_337, %dma_wait3A_339] : memref<100000x64xf32, #tpu.memory_space<hbm>> -> memref<200x64xf32, #tpu.memory_space<hbm>>
      tpu.wait_dma2 semaphore(%arg11 : memref<!tpu.dma_semaphore, #tpu.memory_space<semaphore_mem>>) src(%dma_wait3A_340 : memref<200x64xf32, #tpu.memory_space<hbm>>) dst(%arg7 : memref<200x64xf32, #tpu.memory_space<vmem>>)
      %add3A_341 = arith.constant 480 : i32
      %add3A_342 = arith.addi %add3A, %add3A_341 : i32
      %mul3A_343 = arith.constant 200 : i32
      %mul3A_344 = arith.muli %add3A_342, %mul3A_343 : i32
      %dma_start3A = arith.constant 0 : i32
      %dma_start3A_345 = tpu.memref_slice %arg3[%mul3A_344, %dma_start3A] : memref<100000x64xf32, #tpu.memory_space<hbm>> -> memref<200x64xf32, #tpu.memory_space<hbm>>
      %dma_start3A_346 = arith.constant 0 : i32
      %dma_start3A_347 = tpu.memref_slice %arg3[%mul3A_344, %dma_start3A_346] : memref<100000x64xf32, #tpu.memory_space<hbm>> -> memref<200x64xf32, #tpu.memory_space<hbm>>
      tpu.enqueue_dma source(%arg7 : memref<200x64xf32, #tpu.memory_space<vmem>>) target(%dma_start3A_347 : memref<200x64xf32, #tpu.memory_space<hbm>>) target_semaphore(%arg15 : memref<!tpu.dma_semaphore, #tpu.memory_space<semaphore_mem>>)
    } else {
    }
    %add3A_306 = arith.constant 384 : i32
    %add3A_307 = arith.addi %add3A, %add3A_306 : i32
    %lt3A_308 = arith.constant 500 : i32
    %lt3A_309 = arith.cmpi slt, %add3A_307, %lt3A_308 : i32
    %convert_element_type3A_310 = arith.extui %lt3A_309 : i1 to i32
    %cond3A_311 = arith.constant 0 : i32
    %cond3A_312 = arith.cmpi ne, %convert_element_type3A_310, %cond3A_311 : i32
    scf.if %cond3A_312 {
      %add3A_334 = arith.constant 384 : i32
      %add3A_335 = arith.addi %add3A, %add3A_334 : i32
      %mul3A_336 = arith.constant 200 : i32
      %mul3A_337 = arith.muli %add3A_335, %mul3A_336 : i32
      %dma_wait3A = arith.constant 0 : i32
      %dma_wait3A_338 = tpu.memref_slice %arg3[%mul3A_337, %dma_wait3A] : memref<100000x64xf32, #tpu.memory_space<hbm>> -> memref<200x64xf32, #tpu.memory_space<hbm>>
      %dma_wait3A_339 = arith.constant 0 : i32
      %dma_wait3A_340 = tpu.memref_slice %arg3[%mul3A_337, %dma_wait3A_339] : memref<100000x64xf32, #tpu.memory_space<hbm>> -> memref<200x64xf32, #tpu.memory_space<hbm>>
      tpu.wait_dma2 semaphore(%arg12 : memref<!tpu.dma_semaphore, #tpu.memory_space<semaphore_mem>>) src(%arg4 : memref<200x64xf32, #tpu.memory_space<vmem>>) dst(%dma_wait3A_340 : memref<200x64xf32, #tpu.memory_space<hbm>>)
    } else {
    }
    %add3A_313 = arith.constant 416 : i32
    %add3A_314 = arith.addi %add3A, %add3A_313 : i32
    %lt3A_315 = arith.constant 500 : i32
    %lt3A_316 = arith.cmpi slt, %add3A_314, %lt3A_315 : i32
    %convert_element_type3A_317 = arith.extui %lt3A_316 : i1 to i32
    %cond3A_318 = arith.constant 0 : i32
    %cond3A_319 = arith.cmpi ne, %convert_element_type3A_317, %cond3A_318 : i32
    scf.if %cond3A_319 {
      %add3A_334 = arith.constant 416 : i32
      %add3A_335 = arith.addi %add3A, %add3A_334 : i32
      %mul3A_336 = arith.constant 200 : i32
      %mul3A_337 = arith.muli %add3A_335, %mul3A_336 : i32
      %dma_wait3A = arith.constant 0 : i32
      %dma_wait3A_338 = tpu.memref_slice %arg3[%mul3A_337, %dma_wait3A] : memref<100000x64xf32, #tpu.memory_space<hbm>> -> memref<200x64xf32, #tpu.memory_space<hbm>>
      %dma_wait3A_339 = arith.constant 0 : i32
      %dma_wait3A_340 = tpu.memref_slice %arg3[%mul3A_337, %dma_wait3A_339] : memref<100000x64xf32, #tpu.memory_space<hbm>> -> memref<200x64xf32, #tpu.memory_space<hbm>>
      tpu.wait_dma2 semaphore(%arg13 : memref<!tpu.dma_semaphore, #tpu.memory_space<semaphore_mem>>) src(%arg5 : memref<200x64xf32, #tpu.memory_space<vmem>>) dst(%dma_wait3A_340 : memref<200x64xf32, #tpu.memory_space<hbm>>)
    } else {
    }
    %add3A_320 = arith.constant 448 : i32
    %add3A_321 = arith.addi %add3A, %add3A_320 : i32
    %lt3A_322 = arith.constant 500 : i32
    %lt3A_323 = arith.cmpi slt, %add3A_321, %lt3A_322 : i32
    %convert_element_type3A_324 = arith.extui %lt3A_323 : i1 to i32
    %cond3A_325 = arith.constant 0 : i32
    %cond3A_326 = arith.cmpi ne, %convert_element_type3A_324, %cond3A_325 : i32
    scf.if %cond3A_326 {
      %add3A_334 = arith.constant 448 : i32
      %add3A_335 = arith.addi %add3A, %add3A_334 : i32
      %mul3A_336 = arith.constant 200 : i32
      %mul3A_337 = arith.muli %add3A_335, %mul3A_336 : i32
      %dma_wait3A = arith.constant 0 : i32
      %dma_wait3A_338 = tpu.memref_slice %arg3[%mul3A_337, %dma_wait3A] : memref<100000x64xf32, #tpu.memory_space<hbm>> -> memref<200x64xf32, #tpu.memory_space<hbm>>
      %dma_wait3A_339 = arith.constant 0 : i32
      %dma_wait3A_340 = tpu.memref_slice %arg3[%mul3A_337, %dma_wait3A_339] : memref<100000x64xf32, #tpu.memory_space<hbm>> -> memref<200x64xf32, #tpu.memory_space<hbm>>
      tpu.wait_dma2 semaphore(%arg14 : memref<!tpu.dma_semaphore, #tpu.memory_space<semaphore_mem>>) src(%arg6 : memref<200x64xf32, #tpu.memory_space<vmem>>) dst(%dma_wait3A_340 : memref<200x64xf32, #tpu.memory_space<hbm>>)
    } else {
    }
    %add3A_327 = arith.constant 480 : i32
    %add3A_328 = arith.addi %add3A, %add3A_327 : i32
    %lt3A_329 = arith.constant 500 : i32
    %lt3A_330 = arith.cmpi slt, %add3A_328, %lt3A_329 : i32
    %convert_element_type3A_331 = arith.extui %lt3A_330 : i1 to i32
    %cond3A_332 = arith.constant 0 : i32
    %cond3A_333 = arith.cmpi ne, %convert_element_type3A_331, %cond3A_332 : i32
    scf.if %cond3A_333 {
      %add3A_334 = arith.constant 480 : i32
      %add3A_335 = arith.addi %add3A, %add3A_334 : i32
      %mul3A_336 = arith.constant 200 : i32
      %mul3A_337 = arith.muli %add3A_335, %mul3A_336 : i32
      %dma_wait3A = arith.constant 0 : i32
      %dma_wait3A_338 = tpu.memref_slice %arg3[%mul3A_337, %dma_wait3A] : memref<100000x64xf32, #tpu.memory_space<hbm>> -> memref<200x64xf32, #tpu.memory_space<hbm>>
      %dma_wait3A_339 = arith.constant 0 : i32
      %dma_wait3A_340 = tpu.memref_slice %arg3[%mul3A_337, %dma_wait3A_339] : memref<100000x64xf32, #tpu.memory_space<hbm>> -> memref<200x64xf32, #tpu.memory_space<hbm>>
      tpu.wait_dma2 semaphore(%arg15 : memref<!tpu.dma_semaphore, #tpu.memory_space<semaphore_mem>>) src(%arg7 : memref<200x64xf32, #tpu.memory_space<vmem>>) dst(%dma_wait3A_340 : memref<200x64xf32, #tpu.memory_space<hbm>>)
    } else {
    }
    return
  }
}

module attributes {stable_mosaic.version = 14 : i64} {
  func.func @_gru_head(%arg0: i32, %arg1: memref<4096x64xf32, #tpu.memory_space<vmem>>, %arg2: memref<4096x64xf32, #tpu.memory_space<vmem>>, %arg3: memref<64x64xf32, #tpu.memory_space<vmem>>, %arg4: memref<64x64xf32, #tpu.memory_space<vmem>>, %arg5: memref<64x64xf32, #tpu.memory_space<vmem>>, %arg6: memref<64x64xf32, #tpu.memory_space<vmem>>, %arg7: memref<64x64xf32, #tpu.memory_space<vmem>>, %arg8: memref<64x64xf32, #tpu.memory_space<vmem>>, %arg9: memref<1x64xf32, #tpu.memory_space<vmem>>, %arg10: memref<1x64xf32, #tpu.memory_space<vmem>>, %arg11: memref<1x64xf32, #tpu.memory_space<vmem>>, %arg12: memref<1x64xf32, #tpu.memory_space<vmem>>, %arg13: memref<4096x64xf32, #tpu.memory_space<vmem>>) attributes {dimension_semantics = [#tpu.dimension_semantics<arbitrary>], iteration_bounds = array<i64: 4>, scalar_prefetch = 0 : i64, scratch_operands = 0 : i64, tpu.core_type = #tpu.core_type<tc>, window_params = [{transform_indices = @transform_0, window_bounds = array<i64: 4096, 64>}, {transform_indices = @transform_1, window_bounds = array<i64: 4096, 64>}, {pipeline_mode = #tpu.pipeline_mode<synchronous>, transform_indices = @transform_2, window_bounds = array<i64: 64, 64>}, {pipeline_mode = #tpu.pipeline_mode<synchronous>, transform_indices = @transform_3, window_bounds = array<i64: 64, 64>}, {pipeline_mode = #tpu.pipeline_mode<synchronous>, transform_indices = @transform_4, window_bounds = array<i64: 64, 64>}, {pipeline_mode = #tpu.pipeline_mode<synchronous>, transform_indices = @transform_5, window_bounds = array<i64: 64, 64>}, {pipeline_mode = #tpu.pipeline_mode<synchronous>, transform_indices = @transform_6, window_bounds = array<i64: 64, 64>}, {pipeline_mode = #tpu.pipeline_mode<synchronous>, transform_indices = @transform_7, window_bounds = array<i64: 64, 64>}, {pipeline_mode = #tpu.pipeline_mode<synchronous>, transform_indices = @transform_8, window_bounds = array<i64: 1, 64>}, {pipeline_mode = #tpu.pipeline_mode<synchronous>, transform_indices = @transform_9, window_bounds = array<i64: 1, 64>}, {pipeline_mode = #tpu.pipeline_mode<synchronous>, transform_indices = @transform_10, window_bounds = array<i64: 1, 64>}, {pipeline_mode = #tpu.pipeline_mode<synchronous>, transform_indices = @transform_11, window_bounds = array<i64: 1, 64>}, {transform_indices = @transform_12, window_bounds = array<i64: 4096, 64>}]} {
    %get3A = arith.constant 0 : index
    %get3A_0 = arith.constant 0 : index
    %get3A_1 = vector.load %arg1[%get3A, %get3A_0] : memref<4096x64xf32, #tpu.memory_space<vmem>>, vector<4096x64xf32>
    %get3A_2 = arith.constant 0 : index
    %get3A_3 = arith.constant 0 : index
    %get3A_4 = vector.load %arg2[%get3A_2, %get3A_3] : memref<4096x64xf32, #tpu.memory_space<vmem>>, vector<4096x64xf32>
    %get3A_5 = arith.constant 0 : index
    %get3A_6 = arith.constant 0 : index
    %get3A_7 = vector.load %arg3[%get3A_5, %get3A_6] : memref<64x64xf32, #tpu.memory_space<vmem>>, vector<64x64xf32>
    %dot_general3A = arith.constant dense<0.000000e+00> : vector<4096x64xf32>
    %dot_general3A_8 = tpu.matmul %get3A_1, %get3A_7, %dot_general3A {dimension_numbers = #tpu.dot_dimension_numbers<[1], [0], [0], [1], [0, 0, 1, 1], [], []>, transpose_lhs_hint = false} : vector<4096x64xf32>, vector<64x64xf32>, vector<4096x64xf32> -> vector<4096x64xf32>
    %get3A_9 = arith.constant 0 : index
    %get3A_10 = arith.constant 0 : index
    %get3A_11 = vector.load %arg4[%get3A_9, %get3A_10] : memref<64x64xf32, #tpu.memory_space<vmem>>, vector<64x64xf32>
    %dot_general3A_12 = arith.constant dense<0.000000e+00> : vector<4096x64xf32>
    %dot_general3A_13 = tpu.matmul %get3A_4, %get3A_11, %dot_general3A_12 {dimension_numbers = #tpu.dot_dimension_numbers<[1], [0], [0], [1], [0, 0, 1, 1], [], []>, transpose_lhs_hint = false} : vector<4096x64xf32>, vector<64x64xf32>, vector<4096x64xf32> -> vector<4096x64xf32>
    %add3A = arith.addf %dot_general3A_8, %dot_general3A_13 : vector<4096x64xf32>
    %get3A_14 = arith.constant 0 : index
    %get3A_15 = arith.constant 0 : index
    %get3A_16 = vector.load %arg9[%get3A_14, %get3A_15] : memref<1x64xf32, #tpu.memory_space<vmem>>, vector<1x64xf32>
    %add3A_17 = vector.broadcast %get3A_16 : vector<1x64xf32> to vector<4096x64xf32>
    %add3A_18 = arith.addf %add3A, %add3A_17 : vector<4096x64xf32>
    %logistic3A = arith.negf %add3A_18 : vector<4096x64xf32>
    %logistic3A_19 = math.exp %logistic3A : vector<4096x64xf32>
    %logistic3A_20 = arith.constant 1.000000e+00 : f32
    %logistic3A_21 = vector.broadcast %logistic3A_20 : f32 to vector<4096x64xf32>
    %logistic3A_22 = arith.addf %logistic3A_21, %logistic3A_19 : vector<4096x64xf32>
    %logistic3A_23 = arith.divf %logistic3A_21, %logistic3A_22 : vector<4096x64xf32>
    %get3A_24 = arith.constant 0 : index
    %get3A_25 = arith.constant 0 : index
    %get3A_26 = vector.load %arg5[%get3A_24, %get3A_25] : memref<64x64xf32, #tpu.memory_space<vmem>>, vector<64x64xf32>
    %dot_general3A_27 = arith.constant dense<0.000000e+00> : vector<4096x64xf32>
    %dot_general3A_28 = tpu.matmul %get3A_1, %get3A_26, %dot_general3A_27 {dimension_numbers = #tpu.dot_dimension_numbers<[1], [0], [0], [1], [0, 0, 1, 1], [], []>, transpose_lhs_hint = false} : vector<4096x64xf32>, vector<64x64xf32>, vector<4096x64xf32> -> vector<4096x64xf32>
    %get3A_29 = arith.constant 0 : index
    %get3A_30 = arith.constant 0 : index
    %get3A_31 = vector.load %arg6[%get3A_29, %get3A_30] : memref<64x64xf32, #tpu.memory_space<vmem>>, vector<64x64xf32>
    %dot_general3A_32 = arith.constant dense<0.000000e+00> : vector<4096x64xf32>
    %dot_general3A_33 = tpu.matmul %get3A_4, %get3A_31, %dot_general3A_32 {dimension_numbers = #tpu.dot_dimension_numbers<[1], [0], [0], [1], [0, 0, 1, 1], [], []>, transpose_lhs_hint = false} : vector<4096x64xf32>, vector<64x64xf32>, vector<4096x64xf32> -> vector<4096x64xf32>
    %add3A_34 = arith.addf %dot_general3A_28, %dot_general3A_33 : vector<4096x64xf32>
    %get3A_35 = arith.constant 0 : index
    %get3A_36 = arith.constant 0 : index
    %get3A_37 = vector.load %arg10[%get3A_35, %get3A_36] : memref<1x64xf32, #tpu.memory_space<vmem>>, vector<1x64xf32>
    %add3A_38 = vector.broadcast %get3A_37 : vector<1x64xf32> to vector<4096x64xf32>
    %add3A_39 = arith.addf %add3A_34, %add3A_38 : vector<4096x64xf32>
    %logistic3A_40 = arith.negf %add3A_39 : vector<4096x64xf32>
    %logistic3A_41 = math.exp %logistic3A_40 : vector<4096x64xf32>
    %logistic3A_42 = arith.constant 1.000000e+00 : f32
    %logistic3A_43 = vector.broadcast %logistic3A_42 : f32 to vector<4096x64xf32>
    %logistic3A_44 = arith.addf %logistic3A_43, %logistic3A_41 : vector<4096x64xf32>
    %logistic3A_45 = arith.divf %logistic3A_43, %logistic3A_44 : vector<4096x64xf32>
    %get3A_46 = arith.constant 0 : index
    %get3A_47 = arith.constant 0 : index
    %get3A_48 = vector.load %arg7[%get3A_46, %get3A_47] : memref<64x64xf32, #tpu.memory_space<vmem>>, vector<64x64xf32>
    %dot_general3A_49 = arith.constant dense<0.000000e+00> : vector<4096x64xf32>
    %dot_general3A_50 = tpu.matmul %get3A_1, %get3A_48, %dot_general3A_49 {dimension_numbers = #tpu.dot_dimension_numbers<[1], [0], [0], [1], [0, 0, 1, 1], [], []>, transpose_lhs_hint = false} : vector<4096x64xf32>, vector<64x64xf32>, vector<4096x64xf32> -> vector<4096x64xf32>
    %get3A_51 = arith.constant 0 : index
    %get3A_52 = arith.constant 0 : index
    %get3A_53 = vector.load %arg11[%get3A_51, %get3A_52] : memref<1x64xf32, #tpu.memory_space<vmem>>, vector<1x64xf32>
    %add3A_54 = vector.broadcast %get3A_53 : vector<1x64xf32> to vector<4096x64xf32>
    %add3A_55 = arith.addf %dot_general3A_50, %add3A_54 : vector<4096x64xf32>
    %get3A_56 = arith.constant 0 : index
    %get3A_57 = arith.constant 0 : index
    %get3A_58 = vector.load %arg8[%get3A_56, %get3A_57] : memref<64x64xf32, #tpu.memory_space<vmem>>, vector<64x64xf32>
    %dot_general3A_59 = arith.constant dense<0.000000e+00> : vector<4096x64xf32>
    %dot_general3A_60 = tpu.matmul %get3A_4, %get3A_58, %dot_general3A_59 {dimension_numbers = #tpu.dot_dimension_numbers<[1], [0], [0], [1], [0, 0, 1, 1], [], []>, transpose_lhs_hint = false} : vector<4096x64xf32>, vector<64x64xf32>, vector<4096x64xf32> -> vector<4096x64xf32>
    %get3A_61 = arith.constant 0 : index
    %get3A_62 = arith.constant 0 : index
    %get3A_63 = vector.load %arg12[%get3A_61, %get3A_62] : memref<1x64xf32, #tpu.memory_space<vmem>>, vector<1x64xf32>
    %add3A_64 = vector.broadcast %get3A_63 : vector<1x64xf32> to vector<4096x64xf32>
    %add3A_65 = arith.addf %dot_general3A_60, %add3A_64 : vector<4096x64xf32>
    %mul3A = arith.mulf %logistic3A_23, %add3A_65 : vector<4096x64xf32>
    %add3A_66 = arith.addf %add3A_55, %mul3A : vector<4096x64xf32>
    %tanh3A = math.tanh %add3A_66 : vector<4096x64xf32>
    %sub3A = arith.constant 1.000000e+00 : f32
    %sub3A_67 = vector.broadcast %sub3A : f32 to vector<4096x64xf32>
    %sub3A_68 = arith.subf %sub3A_67, %logistic3A_45 : vector<4096x64xf32>
    %sub3A_69 = arith.subf %tanh3A, %get3A_4 : vector<4096x64xf32>
    %mul3A_70 = arith.mulf %sub3A_68, %sub3A_69 : vector<4096x64xf32>
    %add3A_71 = arith.addf %get3A_4, %mul3A_70 : vector<4096x64xf32>
    %swap3A = arith.constant 0 : index
    %swap3A_72 = arith.constant 0 : index
    %swap3A_73 = vector.load %arg13[%swap3A, %swap3A_72] : memref<4096x64xf32, #tpu.memory_space<vmem>>, vector<4096x64xf32>
    tpu.vector_store %arg13[%swap3A, %swap3A_72], %add3A_71 {strides = array<i32>} : memref<4096x64xf32, #tpu.memory_space<vmem>>, vector<4096x64xf32>,
    return
  }
  func.func @transform_0(%arg0: i32) -> (i32, i32) {
    %c0_i32 = arith.constant 0 : i32
    %c0_i32_0 = arith.constant 0 : i32
    return %arg0, %c0_i32 : i32, i32
  }
  func.func @transform_1(%arg0: i32) -> (i32, i32) {
    %c0_i32 = arith.constant 0 : i32
    %c0_i32_0 = arith.constant 0 : i32
    return %arg0, %c0_i32 : i32, i32
  }
  func.func @transform_2(%arg0: i32) -> (i32, i32) {
    %c0_i32 = arith.constant 0 : i32
    %c0_i32_0 = arith.constant 0 : i32
    %c0_i32_1 = arith.constant 0 : i32
    return %c0_i32, %c0_i32_0 : i32, i32
  }
  func.func @transform_3(%arg0: i32) -> (i32, i32) {
    %c0_i32 = arith.constant 0 : i32
    %c0_i32_0 = arith.constant 0 : i32
    %c0_i32_1 = arith.constant 0 : i32
    return %c0_i32, %c0_i32_0 : i32, i32
  }
  func.func @transform_4(%arg0: i32) -> (i32, i32) {
    %c0_i32 = arith.constant 0 : i32
    %c0_i32_0 = arith.constant 0 : i32
    %c0_i32_1 = arith.constant 0 : i32
    return %c0_i32, %c0_i32_0 : i32, i32
  }
  func.func @transform_5(%arg0: i32) -> (i32, i32) {
    %c0_i32 = arith.constant 0 : i32
    %c0_i32_0 = arith.constant 0 : i32
    %c0_i32_1 = arith.constant 0 : i32
    return %c0_i32, %c0_i32_0 : i32, i32
  }
  func.func @transform_6(%arg0: i32) -> (i32, i32) {
    %c0_i32 = arith.constant 0 : i32
    %c0_i32_0 = arith.constant 0 : i32
    %c0_i32_1 = arith.constant 0 : i32
    return %c0_i32, %c0_i32_0 : i32, i32
  }
  func.func @transform_7(%arg0: i32) -> (i32, i32) {
    %c0_i32 = arith.constant 0 : i32
    %c0_i32_0 = arith.constant 0 : i32
    %c0_i32_1 = arith.constant 0 : i32
    return %c0_i32, %c0_i32_0 : i32, i32
  }
  func.func @transform_8(%arg0: i32) -> (i32, i32) {
    %c0_i32 = arith.constant 0 : i32
    %c0_i32_0 = arith.constant 0 : i32
    %c0_i32_1 = arith.constant 0 : i32
    return %c0_i32, %c0_i32_0 : i32, i32
  }
  func.func @transform_9(%arg0: i32) -> (i32, i32) {
    %c0_i32 = arith.constant 0 : i32
    %c0_i32_0 = arith.constant 0 : i32
    %c0_i32_1 = arith.constant 0 : i32
    return %c0_i32, %c0_i32_0 : i32, i32
  }
  func.func @transform_10(%arg0: i32) -> (i32, i32) {
    %c0_i32 = arith.constant 0 : i32
    %c0_i32_0 = arith.constant 0 : i32
    %c0_i32_1 = arith.constant 0 : i32
    return %c0_i32, %c0_i32_0 : i32, i32
  }
  func.func @transform_11(%arg0: i32) -> (i32, i32) {
    %c0_i32 = arith.constant 0 : i32
    %c0_i32_0 = arith.constant 0 : i32
    %c0_i32_1 = arith.constant 0 : i32
    return %c0_i32, %c0_i32_0 : i32, i32
  }
  func.func @transform_12(%arg0: i32) -> (i32, i32) {
    %c0_i32 = arith.constant 0 : i32
    %c0_i32_0 = arith.constant 0 : i32
    return %arg0, %c0_i32 : i32, i32
  }
}

</mosaic_0001>

<sc_bundles>
// kernel: kernel.4.cloned.1.call-start
scs
__scs_entry_jumppad:
0x0: {  	(pc) =	sbr.rel $0x88, $3  }
0x1: {  	(tag) =	ssettag $0x0;
	lr =	simm.s32 $0x1  }
0x2: {  	[smem:$0x3F9B] =	sst lr;
	_ =	strace $0xD0000000  }
0x3: {  	_ = 	snop  }
0x4: {  	_ = 	snop  }
0x5: {  	_ = 	snop  }
0x6: {  	_ = 	snop  }
0x7: {  	_ = 	snop  }
__scs_overlays_trampoline_lowered:
0x8: {  	[smem:$0x3FAA] =	sst s0  }
0x9: {  	[smem:$0x3FAB] =	sst s1  }
0xa: {  	[smem:$0x3FAC] =	sst s2  }
0xb: {  	[smem:$0x3FAD] =	sst s3  }
0xc: {  	[smem:$0x3FAE] =	sst s4  }
0xd: {  	[smem:$0x3FAF] =	sst s5  }
0xe: {  	[smem:$0x3FB0] =	sst s6  }
0xf: {  	[smem:$0x3FB1] =	sst s7  }
0x10: {  	[smem:$0x3FB2] =	sst s8  }
0x11: {  	[smem:$0x3FB3] =	sst s9;
	s0 =	simm.s32 @!p0 $0x0  }
0x12: {  	s1 =	sld [smem:$0x3F99];
	s0 =	simm.s32 @p0 $0x1  }
0x13: {  	[smem:$0x3FB4] =	sst s0;
	s0 =	simm.s32 @!p1 $0x0  }
0x14: {  	s2 =	sld [smem:$0x3F98];
	s0 =	simm.s32 @p1 $0x1  }
0x15: {  	[smem:$0x3FB5] =	sst s0;
	s0 =	simm.s32 @!p2 $0x0  }
0x16: {  	s3 =	sld [smem:$0x3FDB];
	s0 =	simm.s32 @p2 $0x1  }
0x17: {  	s4 =	simm.s32 $0x1BF5;
	[smem:$0x3FB7] =	sst s0  }
0x18: {  	s0 =	sld [smem:$0x3F9A];
	_ =	swait.ge [sflag:s4], $0x0  }
0x19: {  	s7 =	sld [smem:$0x3F9B]  }
0x1a: {  	s8 =	sadd.s32 $0xFFFFE003, lr  }
0x1b: {  	s9 =	sadd.s32 $0xFFFFFEF7, lr;
	s5 =	simm.s32 $0xFFFFFFFF;
	p2 =	slt.u32 s8, $0xFFFFF086  }
0x1c: {  	p1 =	slt.u32 s9, $0xF7A;
	s5 =	simm.s32 @!p2 $0x0  }
0x1d: {  	s5 =	simm.s32 @p1 $0x1;
	p0 =	seq.s32 s7, s2  }
0x1e: {  	s7 =	smul.u32 @!p0 $0xF7A, s2;
	p2 =	seq.s32 @!p0 s5, $0x0  }
0x1f: {  	s9 =	smul.u32 $0xF7A, s1;
	s8 =	simm.s32 @!p0 $0x1BF5;
	p2 =	por !p2, p0  }
0x20: {  	[sflag:s8] =	ssyncset.s32 @!p0 $0xFFFFF086;
	s6 =	sadd.s32 @!p0 s3, s7;
	s7 =	simm.s32 @!p0 $0x108  }
0x21: {  	s3 =	sadd.s32 s3, s9;
	s6 =	sadd.s32 @!p0 $0x88, s6;
	s7 =	simm.s32 @p2 $0x1082  }
0x22: {  	[simem:s7], [sflag:s8] =	dma.local @!p0 [hbm:s6], $0xF7A  }
0x23: {  	s9 =	sor.u32 $0xD0000000, s2;
	s6 =	simm.s32 $0x108;
	_ =	swait.ge @!p0 [sflag:s8], $0x0  }
0x24: {  	s3 =	sadd.s32 $0x88, s3;
	s6 =	simm.s32 @!p1 $0x1082;
	[sflag:s4] =	ssyncset.s32 $0xFFFFF086  }
0x25: {  	[simem:s6], [sflag:s4] =	dma.local [hbm:s3], $0xF7A  }
0x26: {  	[smem:$0x3F9B] =	sst s1;
	(tag) =	ssettag s2;
	_ =	strace s9  }
0x27: {  	s1 =	sld [smem:$0x3FAB]  }
0x28: {  	s2 =	sld [smem:$0x3FAC]  }
0x29: {  	s4 =	sld [smem:$0x3FAE]  }
0x2a: {  	p0 =	seq.s32 s5, $0x0;
	s5 =	sld [smem:$0x3FAF]  }
0x2b: {  	s6 =	sld [smem:$0x3FB0]  }
0x2c: {  	s7 =	sld [smem:$0x3FB1]  }
0x2d: {  	s3 =	simm.s32 $0x108;
	s8 =	sld [smem:$0x3FB2]  }
0x2e: {  	s3 =	simm.s32 @!p0 $0x1082;
	s9 =	sld [smem:$0x3FB3]  }
0x2f: {  	lr =	sadd.s32 s0, s3;
	s0 =	sld [smem:$0x3FAA]  }
0x30: {  	s3 =	sld [smem:$0x3FAD]  }
0x31: {  	[smem:$0x3FB6] =	sst s10  }
0x32: {  	s10 =	sld [smem:$0x3FB4];
	_ =	sdelay $0x3  }
0x33: {  	p0 =	seq.s32 s10, $0x1;
	s10 =	sld [smem:$0x3FB6];
	_ =	sdelay $0x3  }
0x34: {  	[smem:$0x3FB6] =	sst s10  }
0x35: {  	s10 =	sld [smem:$0x3FB5];
	_ =	sdelay $0x3  }
0x36: {  	p1 =	seq.s32 s10, $0x1;
	s10 =	sld [smem:$0x3FB6];
	_ =	sdelay $0x3  }
0x37: {  	[smem:$0x3FB6] =	sst s10  }
0x38: {  	s10 =	sld [smem:$0x3FB7]  }
0x39: {  	_ = 	snop;
	(pc) =	sbr.ind lr, $3  }
0x3a: {  	_ = 	snop  }
0x3b: {  	_ = 	snop  }
0x3c: {  	p2 =	seq.s32 s10, $0x1;
	s10 =	sld [smem:$0x3FB6]  }
0x3d: {  	_ =	shalt  }
0x3e: {  	_ =	shalt  }
0x3f: {  	_ =	shalt  }
0x40: {  	_ =	shalt  }
0x41: {  	_ =	shalt  }
0x42: {  	_ =	shalt  }
0x43: {  	_ =	shalt  }
0x44: {  	_ =	shalt  }
0x45: {  	_ =	shalt  }
0x46: {  	_ =	shalt  }
0x47: {  	_ =	shalt  }
0x48: {  	_ =	shalt  }
0x49: {  	_ =	shalt  }
0x4a: {  	_ =	shalt  }
0x4b: {  	_ =	shalt  }
0x4c: {  	_ =	shalt  }
0x4d: {  	_ =	shalt  }
0x4e: {  	_ =	shalt  }
0x4f: {  	_ =	shalt  }
0x50: {  	_ =	shalt  }
0x51: {  	_ =	shalt  }
0x52: {  	_ =	shalt  }
0x53: {  	_ =	shalt  }
0x54: {  	_ =	shalt  }
0x55: {  	_ =	shalt  }
0x56: {  	_ =	shalt  }
0x57: {  	_ =	shalt  }
0x58: {  	_ =	shalt  }
0x59: {  	_ =	shalt  }
0x5a: {  	_ =	shalt  }
0x5b: {  	_ =	shalt  }
0x5c: {  	_ =	shalt  }
0x5d: {  	_ =	shalt  }
0x5e: {  	_ =	shalt  }
0x5f: {  	_ =	shalt  }
0x60: {  	_ =	shalt  }
0x61: {  	_ =	shalt  }
0x62: {  	_ =	shalt  }
0x63: {  	_ =	shalt  }
0x64: {  	_ =	shalt  }
0x65: {  	_ =	shalt  }
0x66: {  	_ =	shalt  }
0x67: {  	_ =	shalt  }
0x68: {  	_ =	shalt  }
0x69: {  	_ =	shalt  }
0x6a: {  	_ =	shalt  }
0x6b: {  	_ =	shalt  }
0x6c: {  	_ =	shalt  }
0x6d: {  	_ =	shalt  }
0x6e: {  	_ =	shalt  }
0x6f: {  	_ =	shalt  }
0x70: {  	_ =	shalt  }
0x71: {  	_ =	shalt  }
0x72: {  	_ =	shalt  }
0x73: {  	_ =	shalt  }
0x74: {  	_ =	shalt  }
0x75: {  	_ =	shalt  }
0x76: {  	_ =	shalt  }
0x77: {  	_ =	shalt  }
0x78: {  	_ =	shalt  }
0x79: {  	_ =	shalt  }
0x7a: {  	_ =	shalt  }
0x7b: {  	_ =	shalt  }
0x7c: {  	_ =	shalt  }
0x7d: {  	_ =	shalt  }
0x7e: {  	_ =	shalt  }
0x7f: {  	_ =	shalt  }
0x80: {  	_ =	shalt  }
0x81: {  	_ =	shalt  }
0x82: {  	_ =	shalt  }
0x83: {  	_ =	shalt  }
0x84: {  	_ =	shalt  }
0x85: {  	_ =	shalt  }
0x86: {  	_ =	shalt  }
0x87: {  	_ =	shalt  }
.Lfunc_end0:
.L_simem_size_0:
called_computation_lowered:
.L_overlay_start_0:
0x88: {  	s2 =	sld [smem:$0x3FD9]  }
0x89: {  	s3 =	sld [smem:$0x3FFE];
	_ =	sdelay $0x1  }
0x8a: {  	s1 =	srdreg.scid  }
0x8b: {  	s0 =	sand.u32 $0x1, s1  }
0x8c: {  	s16 =	sshll.u32 s0, $0xA;
	s2 =	sadd.s32 s3, s2  }
0x8d: {  	s2 =	sadd.s32 s2, s16  }
0x8e: {  	[smem:$0x3FC2] =	sst s2  }
0x8f: {  	_ = 	snop  }
0x90: {  	(tm) =	ssettm $0x1  }
0x91: {  	s17 =	sld [smem:$0x3FFB];
	_ =	sdelay $0x3  }
0x92: {  	_ =	strace s17  }
0x93: {  	s2 =	sld [smem:$0x3FFC];
	_ =	sdelay $0x3  }
0x94: {  	_ =	strace s2  }
0x95: {  	s2 =	sld [smem:$0x3FFD];
	_ =	sdelay $0x3  }
0x96: {  	_ =	strace s2  }
0x97: {  	_ =	strace $0x8FFFFFFF  }
0x98: {  	s18 =	sld [smem:$0x3FDB];
	_ =	sdelay $0x1  }
0x99: {  	s19 =	simm.s32 $_scs_section_size  }
0x9a: {  	s4 =	simm.s32 $_size__tile_overlayer_lowered;
	s5 =	simm.s32 $_tile_overlayer_lowered  }
0x9b: {  	s22 =	simm.s32 $0x1BFF;
	s21 =	sshll.u32 s5, $0x1;
	s2 =	sadd.s32 s19, s18  }
0x9c: {  	s6 =	simm.s32 $0x0;
	s20 =	sshll.u32 s4, $0x1;
	s4 =	sadd.s32 s21, s2  }
0x9d: {  	[timem:s6], [sflag:s22] =	dma.local [hbm:s4], s20  }
0x9e: {  	_ =	swait.ge [sflag:s22], s20  }
0x9f: {  	s3 =	ssub.s32 $0x0, s20;
	[sflag:s22] =	ssyncset.done $0x0  }
0xa0: {  	[sflag:s22] =	ssyncadd.s32 s3;
	_ =	sdelay $0x1  }
0xa1: {  	s23 =	simm.s32 $0x1B8B  }
0xa2: {  	_ =	swait.ge [sflag:s23], $0x1  }
0xa3: {  	[sflag:s23] =	ssyncset.done $0x0  }
0xa4: {  	s25 =	simm.s32 $0x1B8E;
	s24 =	sld [smem:$0x3FFE];
	[sflag:s23] =	ssyncadd.s32 $0xFFFFFFFF  }
0xa5: {  	s26 =	simm.s32 $execute0_lowered;
	[smem:$0x3FD2] =	sst s25  }
0xa6: {  	s4 =	sshll.u32 s26, $0x1;
	_ =	strace $0x80000046;
	[dreg:$0x1] =	wrdreg $0xFFFFFFFF  }
0xa7: {  	s28 =	simm.s32 $_size_execute0_lowered;
	s2 =	sadd.s32 s2, s4;
	[dreg:$0x0] =	wrdreg $0x0  }
0xa8: {  	s4 =	sshll.u32 s28, $0x1;
	[dreg:$0x2] =	wrdreg s2  }
0xa9: {  	[dreg:$0x3] =	wrdreg s4  }
0xaa: {  	[dreg:$0x4] =	wrdreg $0xC0  }
0xab: {  	_ =	task [dreg:s6], $0x5FFFF  }
0xac: {  	[dreg:$0x1] =	wrdreg $0xFFFFFFFF  }
0xad: {  	[dreg:$0x0] =	wrdreg $0x60  }
0xae: {  	[dreg:$0x2] =	wrdreg s24  }
0xaf: {  	[dreg:$0x3] =	wrdreg $0x9  }
0xb0: {  	_ =	task.clear_ibuf [dreg:s6], $0x4FFFF;
	_ =	strace $0x90000046  }
0xb1: {  	s29 =	simm.s32 $0x9;
	_ =	strace $0x80000048  }
0xb2: {  	_ =	swait.ge [sflag:s29], $0x1  }
0xb3: {  	[sflag:s29] =	ssyncadd.s32 $0xFFFFFFFF  }
0xb4: {  	_ =	strace $0x90000048  }
0xb5: {  	_ =	sfence  }
0xb6: {  	s30 =	sld [smem:$0x0];
	_ =	sdelay $0x2  }
0xb7: {  	s31 =	sshll.u32 s1, $0xD;
	s1 =	sshrl.u32 s1, $0x2  }
0xb8: {  	s3 =	sand.u32 $0x4000, s31;
	s1 =	sadd.s32 s1, s30  }
0xb9: {  	s0 =	sor.u32 s3, s0;
	s1 =	sshll.u32 s1, $0x11  }
0xba: {  	s0 =	sor.u32 s1, s0  }
0xbb: {  	s0 =	sadd.s32 $0x8F2B, s0  }
0xbc: {  	[sflag:s0] =	ssyncadd.remote.s32 $0x1  }
0xbd: {  	_ =	sfence.sel $0xFFFF  }
0xbe: {  	[dreg:$0x0] =	wrdreg $0xFFFFFFFF;
	(pc) =	sbr.abs _section_cstart, $3  }
0xbf: {  	[dreg:$0x1] =	wrdreg $0xFFFFFFFF  }
0xc0: {  	_ =	task.clear_ibuf [dreg:s6], $0x2FFFF;
	_ =	strace $0x9FFFFFFF  }
0xc1: {  	(tm) =	ssettm $0x7FFFFFFF  }
tec
execute0_lowered:
.L_overlay_start_1:
0x0: {  	(tag) =	ssettag $0x1  }
0x1: {  	s0 =	srdreg.scid;
	s23 =	stileid.u32  }
0x2: {  	s3 =	rddreg [dreg:$0x0];
	s4 =	sand.u32 $0x1, s0;
	s14 =	sshll.u32 s23, $0x1  }
0x3: {  	s25 =	rddreg [dreg:$0x1];
	s2 =	simm.s32 $0x0;
	s0 =	sor.u32 s4, s14  }
0x4: {  	p1 =	por $0x0, $0x0;
	[smem:$0x7FF] =	sst s2;
	s1 =	smul.u32 $0xC80, s0  }
0x5: {  	p0 =	sgt.u32 s23, $0x9;
	_ =	strace $0x80000047;
	s0 =	sadd.s32 $0x1200, s3  }
0x6: {  	s4 =	ssub.s32 $0x2, s4;
	s3 =	sadd.s32 $0x187C00, s3;
	s5 =	sadd.s32 s0, s1  }
0x7: {  	s6 =	sadd.s32 $0x19000, s1;
	s16 =	sadd.s32 s3, s1;
	[dreg:$0x2] =	wrdreg s5  }
0x8: {  	s7 =	sadd.s32 $0x32000, s1;
	s15 =	sadd.s32 s0, s6;
	[dreg:$0x4] =	wrdreg s16  }
0x9: {  	s19 =	sadd.s32 $0x4B000, s1;
	s17 =	sadd.s32 s0, s7;
	[dreg:$0x3] =	wrdreg s15  }
0xa: {  	s22 =	sadd.s32 $0x64000, s1;
	s18 =	sadd.s32 s3, s6;
	[dreg:$0x5] =	wrdreg s17  }
0xb: {  	s28 =	sadd.s32 $0x7D000, s1;
	s20 =	sadd.s32 s0, s19;
	[dreg:$0x6] =	wrdreg s18  }
0xc: {  	s31 =	sadd.s32 $0x96000, s1;
	s21 =	sadd.s32 s3, s7;
	[dreg:$0x7] =	wrdreg s20  }
0xd: {  	s10 =	sadd.s32 $0xAF000, s1;
	s24 =	sadd.s32 s0, s22;
	[dreg:$0x8] =	wrdreg s21  }
0xe: {  	s13 =	sadd.s32 $0xC8000, s1;
	s26 =	sadd.s32 s3, s19;
	[dreg:$0x9] =	wrdreg s24  }
0xf: {  	s29 =	sadd.s32 s0, s28;
	s30 =	sadd.s32 s3, s22;
	[dreg:$0xa] =	wrdreg s26  }
0x10: {  	s8 =	sadd.s32 s0, s31;
	s9 =	sadd.s32 s3, s28;
	[dreg:$0xb] =	wrdreg s29  }
0x11: {  	s11 =	sadd.s32 s0, s10;
	s12 =	sadd.s32 s3, s31;
	[dreg:$0xc] =	wrdreg s30  }
0x12: {  	s14 =	sadd.s32 s0, s13;
	s16 =	sadd.s32 $0xE1000, s1;
	[dreg:$0xd] =	wrdreg s8  }
0x13: {  	s19 =	sadd.s32 $0xFA000, s1;
	s22 =	sadd.s32 $0x113000, s1;
	[dreg:$0xe] =	wrdreg s9  }
0x14: {  	s28 =	sadd.s32 $0x12C000, s1;
	s6 =	simm.s32 $0x5;
	[dreg:$0xf] =	wrdreg s11  }
0x15: {  	s7 =	simm.s32 $0x6;
	s5 =	simm.s32 $0x7;
	[dreg:$0x10] =	wrdreg s12  }
0x16: {  	[dreg:$0x11] =	wrdreg s14;
	s15 =	sadd.s32 s3, s10;
	s17 =	sadd.s32 s0, s16  }
0x17: {  	s18 =	sadd.s32 s3, s13;
	s8 =	sshrl.u32 s4, $0x1;
	s20 =	sadd.s32 s0, s19  }
0x18: {  	s21 =	sadd.s32 s3, s16;
	s24 =	sadd.s32 s0, s22;
	s26 =	sadd.s32 s3, s19  }
0x19: {  	s16 =	sadd.s32 s0, s28;
	s29 =	sadd.s32 $0x145000, s1;
	[dreg:$0x12] =	wrdreg s15  }
0x1a: {  	s14 =	sadd.s32 s3, s22;
	s30 =	sadd.s32 $0x15E000, s1;
	[dreg:$0x13] =	wrdreg s17  }
0x1b: {  	s1 =	sadd.s32 $0x177000, s1;
	[dreg:$0x14] =	wrdreg s18;
	s12 =	ssub.s32 s4, s8  }
0x1c: {  	[dreg:$0x15] =	wrdreg s20;
	s13 =	sadd.s32 s0, s29;
	s31 =	smax.u32 s12, $0x1  }
0x1d: {  	s10 =	sadd.s32 s0, s30;
	s8 =	sadd.s32 s0, s1;
	s0 =	sadd.s32 $0xFFFFFFFF, s31  }
0x1e: {  	s11 =	sadd.s32 s3, s28;
	[dreg:$0x16] =	wrdreg s21;
	p2 =	sne.s32 s0, $0x0  }
.Ltmp0:
0x1f: {  	s19 =	simm.s32 $0x1;
	[dreg:$0x17] =	wrdreg s24;
	(pc) =	sbr.rel @!p2 .LBB2_1-.Ltmp0, $4  }
0x20: {  	s22 =	simm.s32 $0x3;
	[dreg:$0x18] =	wrdreg s26;
	s9 =	sadd.s32 s3, s29  }
0x21: {  	s4 =	sadd.s32 s3, s30;
	s3 =	sadd.s32 s3, s1;
	s17 =	simm.s32 $0xC800  }
0x22: {  	s15 =	simm.s32 $0x2;
	s20 =	simm.s32 $0x12C00;
	s21 =	simm.s32 $0x4  }
0x23: {  	s18 =	simm.s32 $0x8;
	s24 =	rddreg [dreg:$0x2];
	s12 =	simm.s32 $0x6400  }
0x24: {  	[tilespmem:s2], [sflag:$0x1] =	stream.linear.gather [hbm4b:s24+s2], $0x6400, $0x38;
	[tilespmem:$0x19000] =	vst v63  }
0x25: {  	s1 =	rddreg [dreg:$0x3]  }
0x26: {  	[tilespmem:s12], [sflag:$0x2] =	stream.linear.gather [hbm4b:s1+s2], $0x6400, $0x38;
	[tilespmem:$0x19000] =	vst v63  }
0x27: {  	_ =	swait.ge [sflag:s19], $0x6400  }
0x28: {  	[sflag:s19] =	ssyncset.done $0x0  }
0x29: {  	s26 =	rddreg [dreg:$0x4];
	[sflag:s19] =	ssyncadd.s32 $0xFFFF9C00  }
0x2a: {  	[hbm4b:s26+s2] =	stream.linear.scatter [tilespmem:s2], [sflag:$0x5], $0x6400, $0x38;
	[tilespmem:$0x19000] =	vst v63  }
0x2b: {  	s23 =	rddreg [dreg:$0x5]  }
0x2c: {  	[tilespmem:s17], [sflag:$0x3] =	stream.linear.gather [hbm4b:s23+s2], $0x6400, $0x38;
	[tilespmem:$0x19000] =	vst v63  }
0x2d: {  	_ =	swait.ge [sflag:s15], $0x6400  }
0x2e: {  	[sflag:s15] =	ssyncset.done $0x0  }
0x2f: {  	s24 =	rddreg [dreg:$0x6];
	[sflag:s15] =	ssyncadd.s32 $0xFFFF9C00  }
0x30: {  	[hbm4b:s24+s2] =	stream.linear.scatter [tilespmem:s12], [sflag:$0x6], $0x6400, $0x38;
	[tilespmem:$0x19000] =	vst v63  }
0x31: {  	s25 =	rddreg [dreg:$0x7]  }
0x32: {  	[tilespmem:s20], [sflag:$0x4] =	stream.linear.gather [hbm4b:s25+s2], $0x6400, $0x38;
	[tilespmem:$0x19000] =	vst v63  }
0x33: {  	_ =	swait.ge [sflag:s22], $0x6400  }
0x34: {  	[sflag:s22] =	ssyncset.done $0x0  }
0x35: {  	s26 =	rddreg [dreg:$0x8];
	[sflag:s22] =	ssyncadd.s32 $0xFFFF9C00  }
0x36: {  	[hbm4b:s26+s2] =	stream.linear.scatter [tilespmem:s17], [sflag:$0x7], $0x6400, $0x38;
	[tilespmem:$0x19000] =	vst v63  }
0x37: {  	_ =	swait.ge [sflag:s6], $0x6400  }
0x38: {  	[sflag:s6] =	ssyncset.done $0x0  }
0x39: {  	s23 =	rddreg [dreg:$0x9];
	[sflag:s6] =	ssyncadd.s32 $0xFFFF9C00  }
0x3a: {  	[tilespmem:s2], [sflag:$0x1] =	stream.linear.gather [hbm4b:s23+s2], $0x6400, $0x38;
	[tilespmem:$0x19000] =	vst v63  }
0x3b: {  	_ =	swait.ge [sflag:s21], $0x6400  }
0x3c: {  	[sflag:s21] =	ssyncset.done $0x0  }
0x3d: {  	s24 =	rddreg [dreg:$0xa];
	[sflag:s21] =	ssyncadd.s32 $0xFFFF9C00  }
0x3e: {  	[hbm4b:s24+s2] =	stream.linear.scatter [tilespmem:s20], [sflag:$0x8], $0x6400, $0x38;
	[tilespmem:$0x19000] =	vst v63  }
0x3f: {  	_ =	swait.ge [sflag:s7], $0x6400  }
0x40: {  	[sflag:s7] =	ssyncset.done $0x0  }
0x41: {  	s25 =	rddreg [dreg:$0xb];
	[sflag:s7] =	ssyncadd.s32 $0xFFFF9C00  }
0x42: {  	[tilespmem:s12], [sflag:$0x2] =	stream.linear.gather [hbm4b:s25+s2], $0x6400, $0x38;
	[tilespmem:$0x19000] =	vst v63  }
0x43: {  	_ =	swait.ge [sflag:s19], $0x6400  }
0x44: {  	[sflag:s19] =	ssyncset.done $0x0  }
0x45: {  	s26 =	rddreg [dreg:$0xc];
	[sflag:s19] =	ssyncadd.s32 $0xFFFF9C00  }
0x46: {  	[hbm4b:s26+s2] =	stream.linear.scatter [tilespmem:s2], [sflag:$0x5], $0x6400, $0x38;
	[tilespmem:$0x19000] =	vst v63  }
0x47: {  	_ =	swait.ge [sflag:s5], $0x6400  }
0x48: {  	[sflag:s5] =	ssyncset.done $0x0  }
0x49: {  	s23 =	rddreg [dreg:$0xd];
	[sflag:s5] =	ssyncadd.s32 $0xFFFF9C00  }
0x4a: {  	[tilespmem:s17], [sflag:$0x3] =	stream.linear.gather [hbm4b:s23+s2], $0x6400, $0x38;
	[tilespmem:$0x19000] =	vst v63  }
0x4b: {  	_ =	swait.ge [sflag:s15], $0x6400  }
0x4c: {  	[sflag:s15] =	ssyncset.done $0x0  }
0x4d: {  	s24 =	rddreg [dreg:$0xe];
	[sflag:s15] =	ssyncadd.s32 $0xFFFF9C00  }
0x4e: {  	[hbm4b:s24+s2] =	stream.linear.scatter [tilespmem:s12], [sflag:$0x6], $0x6400, $0x38;
	[tilespmem:$0x19000] =	vst v63  }
0x4f: {  	_ =	swait.ge [sflag:s18], $0x6400  }
0x50: {  	[sflag:s18] =	ssyncset.done $0x0  }
0x51: {  	s25 =	rddreg [dreg:$0xf];
	[sflag:s18] =	ssyncadd.s32 $0xFFFF9C00  }
0x52: {  	[tilespmem:s20], [sflag:$0x4] =	stream.linear.gather [hbm4b:s25+s2], $0x6400, $0x38;
	[tilespmem:$0x19000] =	vst v63  }
0x53: {  	_ =	swait.ge [sflag:s22], $0x6400  }
0x54: {  	[sflag:s22] =	ssyncset.done $0x0  }
0x55: {  	s26 =	rddreg [dreg:$0x10];
	[sflag:s22] =	ssyncadd.s32 $0xFFFF9C00  }
0x56: {  	[hbm4b:s26+s2] =	stream.linear.scatter [tilespmem:s17], [sflag:$0x7], $0x6400, $0x38;
	[tilespmem:$0x19000] =	vst v63  }
0x57: {  	_ =	swait.ge [sflag:s6], $0x6400  }
0x58: {  	[sflag:s6] =	ssyncset.done $0x0  }
0x59: {  	s23 =	rddreg [dreg:$0x11];
	[sflag:s6] =	ssyncadd.s32 $0xFFFF9C00  }
0x5a: {  	[tilespmem:s2], [sflag:$0x1] =	stream.linear.gather [hbm4b:s23+s2], $0x6400, $0x38;
	[tilespmem:$0x19000] =	vst v63  }
0x5b: {  	_ =	swait.ge [sflag:s21], $0x6400  }
0x5c: {  	[sflag:s21] =	ssyncset.done $0x0  }
0x5d: {  	s24 =	rddreg [dreg:$0x12];
	[sflag:s21] =	ssyncadd.s32 $0xFFFF9C00  }
0x5e: {  	[hbm4b:s24+s2] =	stream.linear.scatter [tilespmem:s20], [sflag:$0x8], $0x6400, $0x38;
	[tilespmem:$0x19000] =	vst v63  }
0x5f: {  	_ =	swait.ge [sflag:s7], $0x6400  }
0x60: {  	[sflag:s7] =	ssyncset.done $0x0  }
0x61: {  	s25 =	rddreg [dreg:$0x13];
	[sflag:s7] =	ssyncadd.s32 $0xFFFF9C00  }
0x62: {  	[tilespmem:s12], [sflag:$0x2] =	stream.linear.gather [hbm4b:s25+s2], $0x6400, $0x38;
	[tilespmem:$0x19000] =	vst v63  }
0x63: {  	_ =	swait.ge [sflag:s19], $0x6400  }
0x64: {  	[sflag:s19] =	ssyncset.done $0x0  }
0x65: {  	s26 =	rddreg [dreg:$0x14];
	[sflag:s19] =	ssyncadd.s32 $0xFFFF9C00  }
0x66: {  	[hbm4b:s26+s2] =	stream.linear.scatter [tilespmem:s2], [sflag:$0x5], $0x6400, $0x38;
	[tilespmem:$0x19000] =	vst v63  }
0x67: {  	_ =	swait.ge [sflag:s5], $0x6400  }
0x68: {  	[sflag:s5] =	ssyncset.done $0x0  }
0x69: {  	s23 =	rddreg [dreg:$0x15];
	[sflag:s5] =	ssyncadd.s32 $0xFFFF9C00  }
0x6a: {  	[tilespmem:s17], [sflag:$0x3] =	stream.linear.gather [hbm4b:s23+s2], $0x6400, $0x38;
	[tilespmem:$0x19000] =	vst v63  }
0x6b: {  	_ =	swait.ge [sflag:s15], $0x6400  }
0x6c: {  	[sflag:s15] =	ssyncset.done $0x0  }
0x6d: {  	s24 =	rddreg [dreg:$0x16];
	[sflag:s15] =	ssyncadd.s32 $0xFFFF9C00  }
0x6e: {  	[hbm4b:s24+s2] =	stream.linear.scatter [tilespmem:s12], [sflag:$0x6], $0x6400, $0x38;
	[tilespmem:$0x19000] =	vst v63  }
0x6f: {  	_ =	swait.ge [sflag:s18], $0x6400  }
0x70: {  	[sflag:s18] =	ssyncset.done $0x0  }
0x71: {  	s25 =	rddreg [dreg:$0x17];
	[sflag:s18] =	ssyncadd.s32 $0xFFFF9C00  }
0x72: {  	[tilespmem:s20], [sflag:$0x4] =	stream.linear.gather [hbm4b:s25+s2], $0x6400, $0x38;
	[tilespmem:$0x19000] =	vst v63  }
0x73: {  	_ =	swait.ge [sflag:s22], $0x6400  }
0x74: {  	[sflag:s22] =	ssyncset.done $0x0  }
0x75: {  	s26 =	rddreg [dreg:$0x18];
	[sflag:s22] =	ssyncadd.s32 $0xFFFF9C00  }
0x76: {  	[hbm4b:s26+s2] =	stream.linear.scatter [tilespmem:s17], [sflag:$0x7], $0x6400, $0x38;
	[tilespmem:$0x19000] =	vst v63  }
0x77: {  	_ =	swait.ge [sflag:s6], $0x6400  }
0x78: {  	[sflag:s6] =	ssyncset.done $0x0  }
0x79: {  	[sflag:s6] =	ssyncadd.s32 $0xFFFF9C00  }
0x7a: {  	[tilespmem:s2], [sflag:$0x1] =	stream.linear.gather [hbm4b:s16+s2], $0x6400, $0x38;
	[tilespmem:$0x19000] =	vst v63  }
0x7b: {  	_ =	swait.ge [sflag:s21], $0x6400  }
0x7c: {  	[sflag:s21] =	ssyncset.done $0x0  }
0x7d: {  	[sflag:s21] =	ssyncadd.s32 $0xFFFF9C00  }
0x7e: {  	[hbm4b:s14+s2] =	stream.linear.scatter [tilespmem:s20], [sflag:$0x8], $0x6400, $0x38;
	[tilespmem:$0x19000] =	vst v63  }
0x7f: {  	_ =	swait.ge [sflag:s7], $0x6400  }
0x80: {  	[sflag:s7] =	ssyncset.done $0x0  }
0x81: {  	[sflag:s7] =	ssyncadd.s32 $0xFFFF9C00  }
0x82: {  	[tilespmem:s12], [sflag:$0x2] =	stream.linear.gather [hbm4b:s13+s2], $0x6400, $0x38;
	[tilespmem:$0x19000] =	vst v63  }
0x83: {  	_ =	swait.ge [sflag:s19], $0x6400  }
0x84: {  	[sflag:s19] =	ssyncset.done $0x0  }
0x85: {  	[sflag:s19] =	ssyncadd.s32 $0xFFFF9C00  }
0x86: {  	[hbm4b:s11+s2] =	stream.linear.scatter [tilespmem:s2], [sflag:$0x5], $0x6400, $0x38;
	[tilespmem:$0x19000] =	vst v63  }
0x87: {  	_ =	swait.ge [sflag:s5], $0x6400  }
0x88: {  	[sflag:s5] =	ssyncset.done $0x0  }
0x89: {  	[sflag:s5] =	ssyncadd.s32 $0xFFFF9C00  }
0x8a: {  	[tilespmem:s17], [sflag:$0x3] =	stream.linear.gather [hbm4b:s10+s2], $0x6400, $0x38;
	[tilespmem:$0x19000] =	vst v63  }
0x8b: {  	_ =	swait.ge [sflag:s15], $0x6400  }
0x8c: {  	[sflag:s15] =	ssyncset.done $0x0  }
0x8d: {  	[sflag:s15] =	ssyncadd.s32 $0xFFFF9C00  }
0x8e: {  	[hbm4b:s9+s2] =	stream.linear.scatter [tilespmem:s12], [sflag:$0x6], $0x6400, $0x38;
	[tilespmem:$0x19000] =	vst v63  }
0x8f: {  	_ =	swait.ge [sflag:s18], $0x6400  }
0x90: {  	[sflag:s18] =	ssyncset.done $0x0  }
0x91: {  	s23 =	simm.s32 @p0 $0x3;
	[sflag:s18] =	ssyncadd.s32 $0xFFFF9C00  }
0x92: {  	_ =	swait.ge @p0 [sflag:s23], $0x6400  }
0x93: {  	[sflag:s23] =	ssyncset.done @p0 $0x0  }
0x94: {  	s1 =	simm.s32 @p0 $0x0;
	s24 =	simm.s32 @p0 $0xC800;
	[sflag:s23] =	ssyncadd.s32 @p0 $0xFFFF9C00  }
0x95: {  	[hbm4b:s4+s1] =	stream.linear.scatter @p0 [tilespmem:s24], [sflag:$0x7], $0x6400, $0x38;
	[tilespmem:$0x19000] =	vst v63  }
0x96: {  	s28 =	simm.s32 @!p0 $0x12C00;
	s29 =	simm.s32 @!p0 $0x3;
	s26 =	simm.s32 @!p0 $0x0  }
0x97: {  	[tilespmem:s28], [sflag:$0x4] =	stream.linear.gather @!p0 [hbm4b:s8+s26], $0x6400, $0x38;
	[tilespmem:$0x19000] =	vst v63  }
0x98: {  	_ =	swait.ge @!p0 [sflag:s29], $0x6400  }
0x99: {  	[sflag:s29] =	ssyncset.done @!p0 $0x0  }
0x9a: {  	s30 =	simm.s32 @!p0 $0xC800;
	s31 =	simm.s32 @!p0 $0x4;
	[sflag:s29] =	ssyncadd.s32 @!p0 $0xFFFF9C00  }
0x9b: {  	[hbm4b:s4+s26] =	stream.linear.scatter @!p0 [tilespmem:s30], [sflag:$0x7], $0x6400, $0x38;
	[tilespmem:$0x19000] =	vst v63  }
0x9c: {  	_ =	swait.ge @!p0 [sflag:s31], $0x6400  }
0x9d: {  	[sflag:s31] =	ssyncset.done @!p0 $0x0  }
0x9e: {  	[sflag:s31] =	ssyncadd.s32 @!p0 $0xFFFF9C00  }
0x9f: {  	[hbm4b:s3+s26] =	stream.linear.scatter @!p0 [tilespmem:s28], [sflag:$0x8], $0x6400, $0x38;
	[tilespmem:$0x19000] =	vst v63  }
0xa0: {  	_ =	swait.ge [sflag:s6], $0x6400  }
0xa1: {  	[sflag:s6] =	ssyncset.done $0x0  }
0xa2: {  	[sflag:s6] =	ssyncadd.s32 $0xFFFF9C00  }
0xa3: {  	_ =	swait.ge [sflag:s7], $0x6400  }
0xa4: {  	s0 =	sadd.s32 $0xFFFFFFFF, s0;
	[sflag:s7] =	ssyncset.done $0x0  }
0xa5: {  	p2 =	sne.s32 s0, $0x0;
	[sflag:s7] =	ssyncadd.s32 $0xFFFF9C00  }
.Ltmp1:
0xa6: {  	_ =	swait.ge [sflag:s5], $0x6400;
	(pc) =	sbr.rel @!p2 .LBB2_3-.Ltmp1, $4  }
0xa7: {  	[sflag:s5] =	ssyncset.done $0x0  }
0xa8: {  	s1 =	simm.s32 @!p0 $0x8;
	[sflag:s5] =	ssyncadd.s32 $0xFFFF9C00  }
0xa9: {  	_ =	swait.ge @!p0 [sflag:s1], $0x6400  }
0xaa: {  	p1 =	por $0x1, $0x1;
	s24 =	rddreg [dreg:$0x2];
	[sflag:s1] =	ssyncset.done @!p0 $0x0  }
.LBB2_4:
0xab: {  	[sflag:s1] =	ssyncadd.s32 @!p0 $0xFFFF9C00  }
0xac: {  	[tilespmem:s2], [sflag:$0x1] =	stream.linear.gather [hbm4b:s24+s2], $0x6400, $0x38;
	[tilespmem:$0x19000] =	vst v63  }
0xad: {  	s25 =	rddreg [dreg:$0x3]  }
0xae: {  	[tilespmem:s12], [sflag:$0x2] =	stream.linear.gather [hbm4b:s25+s2], $0x6400, $0x38;
	[tilespmem:$0x19000] =	vst v63  }
0xaf: {  	_ =	swait.ge [sflag:s19], $0x6400  }
0xb0: {  	[sflag:s19] =	ssyncset.done $0x0  }
0xb1: {  	s24 =	rddreg [dreg:$0x4];
	[sflag:s19] =	ssyncadd.s32 $0xFFFF9C00  }
0xb2: {  	[hbm4b:s24+s2] =	stream.linear.scatter [tilespmem:s2], [sflag:$0x5], $0x6400, $0x38;
	[tilespmem:$0x19000] =	vst v63  }
0xb3: {  	s25 =	rddreg [dreg:$0x5]  }
0xb4: {  	[tilespmem:s17], [sflag:$0x3] =	stream.linear.gather [hbm4b:s25+s2], $0x6400, $0x38;
	[tilespmem:$0x19000] =	vst v63  }
0xb5: {  	_ =	swait.ge [sflag:s15], $0x6400  }
0xb6: {  	[sflag:s15] =	ssyncset.done $0x0  }
0xb7: {  	s24 =	rddreg [dreg:$0x6];
	[sflag:s15] =	ssyncadd.s32 $0xFFFF9C00  }
0xb8: {  	[hbm4b:s24+s2] =	stream.linear.scatter [tilespmem:s12], [sflag:$0x6], $0x6400, $0x38;
	[tilespmem:$0x19000] =	vst v63  }
0xb9: {  	s25 =	rddreg [dreg:$0x7]  }
0xba: {  	[tilespmem:s20], [sflag:$0x4] =	stream.linear.gather [hbm4b:s25+s2], $0x6400, $0x38;
	[tilespmem:$0x19000] =	vst v63  }
0xbb: {  	_ =	swait.ge [sflag:s22], $0x6400  }
0xbc: {  	[sflag:s22] =	ssyncset.done $0x0  }
0xbd: {  	s25 =	rddreg [dreg:$0x8];
	[sflag:s22] =	ssyncadd.s32 $0xFFFF9C00  }
0xbe: {  	[hbm4b:s25+s2] =	stream.linear.scatter [tilespmem:s17], [sflag:$0x7], $0x6400, $0x38;
	[tilespmem:$0x19000] =	vst v63  }
0xbf: {  	_ =	swait.ge [sflag:s6], $0x6400  }
0xc0: {  	[sflag:s6] =	ssyncset.done $0x0  }
0xc1: {  	s25 =	rddreg [dreg:$0x9];
	[sflag:s6] =	ssyncadd.s32 $0xFFFF9C00  }
0xc2: {  	[tilespmem:s2], [sflag:$0x1] =	stream.linear.gather [hbm4b:s25+s2], $0x6400, $0x38;
	[tilespmem:$0x19000] =	vst v63  }
0xc3: {  	_ =	swait.ge [sflag:s21], $0x6400  }
0xc4: {  	[sflag:s21] =	ssyncset.done $0x0  }
0xc5: {  	s25 =	rddreg [dreg:$0xa];
	[sflag:s21] =	ssyncadd.s32 $0xFFFF9C00  }
0xc6: {  	[hbm4b:s25+s2] =	stream.linear.scatter [tilespmem:s20], [sflag:$0x8], $0x6400, $0x38;
	[tilespmem:$0x19000] =	vst v63  }
0xc7: {  	_ =	swait.ge [sflag:s7], $0x6400  }
0xc8: {  	[sflag:s7] =	ssyncset.done $0x0  }
0xc9: {  	s25 =	rddreg [dreg:$0xb];
	[sflag:s7] =	ssyncadd.s32 $0xFFFF9C00  }
0xca: {  	[tilespmem:s12], [sflag:$0x2] =	stream.linear.gather [hbm4b:s25+s2], $0x6400, $0x38;
	[tilespmem:$0x19000] =	vst v63  }
0xcb: {  	_ =	swait.ge [sflag:s19], $0x6400  }
0xcc: {  	[sflag:s19] =	ssyncset.done $0x0  }
0xcd: {  	s25 =	rddreg [dreg:$0xc];
	[sflag:s19] =	ssyncadd.s32 $0xFFFF9C00  }
0xce: {  	[hbm4b:s25+s2] =	stream.linear.scatter [tilespmem:s2], [sflag:$0x5], $0x6400, $0x38;
	[tilespmem:$0x19000] =	vst v63  }
0xcf: {  	_ =	swait.ge [sflag:s5], $0x6400  }
0xd0: {  	[sflag:s5] =	ssyncset.done $0x0  }
0xd1: {  	s25 =	rddreg [dreg:$0xd];
	[sflag:s5] =	ssyncadd.s32 $0xFFFF9C00  }
0xd2: {  	[tilespmem:s17], [sflag:$0x3] =	stream.linear.gather [hbm4b:s25+s2], $0x6400, $0x38;
	[tilespmem:$0x19000] =	vst v63  }
0xd3: {  	_ =	swait.ge [sflag:s15], $0x6400  }
0xd4: {  	[sflag:s15] =	ssyncset.done $0x0  }
0xd5: {  	s25 =	rddreg [dreg:$0xe];
	[sflag:s15] =	ssyncadd.s32 $0xFFFF9C00  }
0xd6: {  	[hbm4b:s25+s2] =	stream.linear.scatter [tilespmem:s12], [sflag:$0x6], $0x6400, $0x38;
	[tilespmem:$0x19000] =	vst v63  }
0xd7: {  	_ =	swait.ge [sflag:s18], $0x6400  }
0xd8: {  	[sflag:s18] =	ssyncset.done $0x0  }
0xd9: {  	s25 =	rddreg [dreg:$0xf];
	[sflag:s18] =	ssyncadd.s32 $0xFFFF9C00  }
0xda: {  	[tilespmem:s20], [sflag:$0x4] =	stream.linear.gather [hbm4b:s25+s2], $0x6400, $0x38;
	[tilespmem:$0x19000] =	vst v63  }
0xdb: {  	_ =	swait.ge [sflag:s22], $0x6400  }
0xdc: {  	[sflag:s22] =	ssyncset.done $0x0  }
0xdd: {  	s25 =	rddreg [dreg:$0x10];
	[sflag:s22] =	ssyncadd.s32 $0xFFFF9C00  }
0xde: {  	[hbm4b:s25+s2] =	stream.linear.scatter [tilespmem:s17], [sflag:$0x7], $0x6400, $0x38;
	[tilespmem:$0x19000] =	vst v63  }
0xdf: {  	_ =	swait.ge [sflag:s6], $0x6400  }
0xe0: {  	[sflag:s6] =	ssyncset.done $0x0  }
0xe1: {  	s25 =	rddreg [dreg:$0x11];
	[sflag:s6] =	ssyncadd.s32 $0xFFFF9C00  }
0xe2: {  	[tilespmem:s2], [sflag:$0x1] =	stream.linear.gather [hbm4b:s25+s2], $0x6400, $0x38;
	[tilespmem:$0x19000] =	vst v63  }
0xe3: {  	_ =	swait.ge [sflag:s21], $0x6400  }
0xe4: {  	[sflag:s21] =	ssyncset.done $0x0  }
0xe5: {  	s25 =	rddreg [dreg:$0x12];
	[sflag:s21] =	ssyncadd.s32 $0xFFFF9C00  }
0xe6: {  	[hbm4b:s25+s2] =	stream.linear.scatter [tilespmem:s20], [sflag:$0x8], $0x6400, $0x38;
	[tilespmem:$0x19000] =	vst v63  }
0xe7: {  	_ =	swait.ge [sflag:s7], $0x6400  }
0xe8: {  	[sflag:s7] =	ssyncset.done $0x0  }
0xe9: {  	s25 =	rddreg [dreg:$0x13];
	[sflag:s7] =	ssyncadd.s32 $0xFFFF9C00  }
0xea: {  	[tilespmem:s12], [sflag:$0x2] =	stream.linear.gather [hbm4b:s25+s2], $0x6400, $0x38;
	[tilespmem:$0x19000] =	vst v63  }
0xeb: {  	_ =	swait.ge [sflag:s19], $0x6400  }
0xec: {  	[sflag:s19] =	ssyncset.done $0x0  }
0xed: {  	s25 =	rddreg [dreg:$0x14];
	[sflag:s19] =	ssyncadd.s32 $0xFFFF9C00  }
0xee: {  	[hbm4b:s25+s2] =	stream.linear.scatter [tilespmem:s2], [sflag:$0x5], $0x6400, $0x38;
	[tilespmem:$0x19000] =	vst v63  }
0xef: {  	_ =	swait.ge [sflag:s5], $0x6400  }
0xf0: {  	[sflag:s5] =	ssyncset.done $0x0  }
0xf1: {  	s25 =	rddreg [dreg:$0x15];
	[sflag:s5] =	ssyncadd.s32 $0xFFFF9C00  }
0xf2: {  	[tilespmem:s17], [sflag:$0x3] =	stream.linear.gather [hbm4b:s25+s2], $0x6400, $0x38;
	[tilespmem:$0x19000] =	vst v63  }
0xf3: {  	_ =	swait.ge [sflag:s15], $0x6400  }
0xf4: {  	[sflag:s15] =	ssyncset.done $0x0  }
0xf5: {  	s25 =	rddreg [dreg:$0x16];
	[sflag:s15] =	ssyncadd.s32 $0xFFFF9C00  }
0xf6: {  	[hbm4b:s25+s2] =	stream.linear.scatter [tilespmem:s12], [sflag:$0x6], $0x6400, $0x38;
	[tilespmem:$0x19000] =	vst v63  }
0xf7: {  	_ =	swait.ge [sflag:s18], $0x6400  }
0xf8: {  	[sflag:s18] =	ssyncset.done $0x0  }
0xf9: {  	s25 =	rddreg [dreg:$0x17];
	[sflag:s18] =	ssyncadd.s32 $0xFFFF9C00  }
0xfa: {  	[tilespmem:s20], [sflag:$0x4] =	stream.linear.gather [hbm4b:s25+s2], $0x6400, $0x38;
	[tilespmem:$0x19000] =	vst v63  }
0xfb: {  	_ =	swait.ge [sflag:s22], $0x6400  }
0xfc: {  	[sflag:s22] =	ssyncset.done $0x0  }
0xfd: {  	s25 =	rddreg [dreg:$0x18];
	[sflag:s22] =	ssyncadd.s32 $0xFFFF9C00  }
0xfe: {  	[hbm4b:s25+s2] =	stream.linear.scatter [tilespmem:s17], [sflag:$0x7], $0x6400, $0x38;
	[tilespmem:$0x19000] =	vst v63  }
0xff: {  	_ =	swait.ge [sflag:s6], $0x6400  }
0x100: {  	[sflag:s6] =	ssyncset.done $0x0  }
0x101: {  	[sflag:s6] =	ssyncadd.s32 $0xFFFF9C00  }
0x102: {  	[tilespmem:s2], [sflag:$0x1] =	stream.linear.gather [hbm4b:s16+s2], $0x6400, $0x38;
	[tilespmem:$0x19000] =	vst v63  }
0x103: {  	_ =	swait.ge [sflag:s21], $0x6400  }
0x104: {  	[sflag:s21] =	ssyncset.done $0x0  }
0x105: {  	[sflag:s21] =	ssyncadd.s32 $0xFFFF9C00  }
0x106: {  	[hbm4b:s14+s2] =	stream.linear.scatter [tilespmem:s20], [sflag:$0x8], $0x6400, $0x38;
	[tilespmem:$0x19000] =	vst v63  }
0x107: {  	_ =	swait.ge [sflag:s7], $0x6400  }
0x108: {  	[sflag:s7] =	ssyncset.done $0x0  }
0x109: {  	[sflag:s7] =	ssyncadd.s32 $0xFFFF9C00  }
0x10a: {  	[tilespmem:s12], [sflag:$0x2] =	stream.linear.gather [hbm4b:s13+s2], $0x6400, $0x38;
	[tilespmem:$0x19000] =	vst v63  }
0x10b: {  	_ =	swait.ge [sflag:s19], $0x6400  }
0x10c: {  	[sflag:s19] =	ssyncset.done $0x0  }
0x10d: {  	[sflag:s19] =	ssyncadd.s32 $0xFFFF9C00  }
0x10e: {  	[hbm4b:s11+s2] =	stream.linear.scatter [tilespmem:s2], [sflag:$0x5], $0x6400, $0x38;
	[tilespmem:$0x19000] =	vst v63  }
0x10f: {  	_ =	swait.ge [sflag:s5], $0x6400  }
0x110: {  	[sflag:s5] =	ssyncset.done $0x0  }
0x111: {  	[sflag:s5] =	ssyncadd.s32 $0xFFFF9C00  }
0x112: {  	[tilespmem:s17], [sflag:$0x3] =	stream.linear.gather [hbm4b:s10+s2], $0x6400, $0x38;
	[tilespmem:$0x19000] =	vst v63  }
0x113: {  	_ =	swait.ge [sflag:s15], $0x6400  }
0x114: {  	[sflag:s15] =	ssyncset.done $0x0  }
0x115: {  	[sflag:s15] =	ssyncadd.s32 $0xFFFF9C00  }
0x116: {  	[hbm4b:s9+s2] =	stream.linear.scatter [tilespmem:s12], [sflag:$0x6], $0x6400, $0x38;
	[tilespmem:$0x19000] =	vst v63  }
0x117: {  	_ =	swait.ge [sflag:s18], $0x6400  }
0x118: {  	[sflag:s18] =	ssyncset.done $0x0  }
0x119: {  	[sflag:s18] =	ssyncadd.s32 $0xFFFF9C00  }
0x11a: {  	_ =	swait.ge @p0 [sflag:s23], $0x6400  }
0x11b: {  	[sflag:s23] =	ssyncset.done @p0 $0x0  }
0x11c: {  	s24 =	simm.s32 @p0 $0x0;
	s25 =	simm.s32 @p0 $0xC800;
	[sflag:s23] =	ssyncadd.s32 @p0 $0xFFFF9C00  }
0x11d: {  	[hbm4b:s4+s24] =	stream.linear.scatter @p0 [tilespmem:s25], [sflag:$0x7], $0x6400, $0x38;
	[tilespmem:$0x19000] =	vst v63  }
0x11e: {  	_ = 	snop  }
0x11f: {  	[tilespmem:s28], [sflag:$0x4] =	stream.linear.gather @!p0 [hbm4b:s8+s26], $0x6400, $0x38;
	[tilespmem:$0x19000] =	vst v63  }
0x120: {  	_ =	swait.ge @!p0 [sflag:s29], $0x6400  }
0x121: {  	[sflag:s29] =	ssyncset.done @!p0 $0x0  }
0x122: {  	[sflag:s29] =	ssyncadd.s32 @!p0 $0xFFFF9C00  }
0x123: {  	[hbm4b:s4+s26] =	stream.linear.scatter @!p0 [tilespmem:s30], [sflag:$0x7], $0x6400, $0x38;
	[tilespmem:$0x19000] =	vst v63  }
0x124: {  	_ =	swait.ge @!p0 [sflag:s31], $0x6400  }
0x125: {  	[sflag:s31] =	ssyncset.done @!p0 $0x0  }
0x126: {  	[sflag:s31] =	ssyncadd.s32 @!p0 $0xFFFF9C00  }
0x127: {  	[hbm4b:s3+s26] =	stream.linear.scatter @!p0 [tilespmem:s28], [sflag:$0x8], $0x6400, $0x38;
	[tilespmem:$0x19000] =	vst v63  }
0x128: {  	_ =	swait.ge [sflag:s6], $0x6400  }
0x129: {  	[sflag:s6] =	ssyncset.done $0x0  }
0x12a: {  	[sflag:s6] =	ssyncadd.s32 $0xFFFF9C00  }
0x12b: {  	_ =	swait.ge [sflag:s7], $0x6400  }
0x12c: {  	s0 =	sadd.s32 $0xFFFFFFFF, s0;
	[sflag:s7] =	ssyncset.done $0x0  }
0x12d: {  	p2 =	sne.s32 s0, $0x0;
	[sflag:s7] =	ssyncadd.s32 $0xFFFF9C00  }
.Ltmp2:
0x12e: {  	_ =	swait.ge [sflag:s5], $0x6400;
	(pc) =	sbr.rel @p2 .LBB2_4-.Ltmp2, $4  }
0x12f: {  	[sflag:s5] =	ssyncset.done $0x0  }
0x130: {  	[sflag:s5] =	ssyncadd.s32 $0xFFFF9C00  }
0x131: {  	_ =	swait.ge @!p0 [sflag:s1], $0x6400  }
0x132: {  	s24 =	rddreg [dreg:$0x2];
	[sflag:s1] =	ssyncset.done @!p0 $0x0  }
0x133: {  	s23 =	stileid.u32;
	s25 =	rddreg [dreg:$0x1]  }
.LBB2_6:
0x134: {  	p1 =	por p0, !p1  }
0x135: {  	[sflag:s1] =	ssyncadd.s32 @!p1 $0xFFFF9C00  }
0x136: {  	[tilespmem:s2], [sflag:$0x1] =	stream.linear.gather [hbm4b:s24+s2], $0x6400, $0x38;
	[tilespmem:$0x19000] =	vst v63  }
0x137: {  	s0 =	rddreg [dreg:$0x3]  }
0x138: {  	[tilespmem:s12], [sflag:$0x2] =	stream.linear.gather [hbm4b:s0+s2], $0x6400, $0x38;
	[tilespmem:$0x19000] =	vst v63  }
0x139: {  	_ =	swait.ge [sflag:s19], $0x6400  }
0x13a: {  	[sflag:s19] =	ssyncset.done $0x0  }
0x13b: {  	s1 =	rddreg [dreg:$0x4];
	[sflag:s19] =	ssyncadd.s32 $0xFFFF9C00  }
0x13c: {  	[hbm4b:s1+s2] =	stream.linear.scatter [tilespmem:s2], [sflag:$0x5], $0x6400, $0x38;
	[tilespmem:$0x19000] =	vst v63  }
0x13d: {  	s24 =	rddreg [dreg:$0x5]  }
0x13e: {  	[tilespmem:s17], [sflag:$0x3] =	stream.linear.gather [hbm4b:s24+s2], $0x6400, $0x38;
	[tilespmem:$0x19000] =	vst v63  }
0x13f: {  	_ =	swait.ge [sflag:s15], $0x6400  }
0x140: {  	[sflag:s15] =	ssyncset.done $0x0  }
0x141: {  	s26 =	rddreg [dreg:$0x6];
	[sflag:s15] =	ssyncadd.s32 $0xFFFF9C00  }
0x142: {  	[hbm4b:s26+s2] =	stream.linear.scatter [tilespmem:s12], [sflag:$0x6], $0x6400, $0x38;
	[tilespmem:$0x19000] =	vst v63  }
0x143: {  	s28 =	rddreg [dreg:$0x7]  }
0x144: {  	[tilespmem:s20], [sflag:$0x4] =	stream.linear.gather [hbm4b:s28+s2], $0x6400, $0x38;
	[tilespmem:$0x19000] =	vst v63  }
0x145: {  	_ =	swait.ge [sflag:s22], $0x6400  }
0x146: {  	[sflag:s22] =	ssyncset.done $0x0  }
0x147: {  	s29 =	rddreg [dreg:$0x8];
	[sflag:s22] =	ssyncadd.s32 $0xFFFF9C00  }
0x148: {  	[hbm4b:s29+s2] =	stream.linear.scatter [tilespmem:s17], [sflag:$0x7], $0x6400, $0x38;
	[tilespmem:$0x19000] =	vst v63  }
0x149: {  	_ =	swait.ge [sflag:s6], $0x6400  }
0x14a: {  	[sflag:s6] =	ssyncset.done $0x0  }
0x14b: {  	s30 =	rddreg [dreg:$0x9];
	[sflag:s6] =	ssyncadd.s32 $0xFFFF9C00  }
0x14c: {  	[tilespmem:s2], [sflag:$0x1] =	stream.linear.gather [hbm4b:s30+s2], $0x6400, $0x38;
	[tilespmem:$0x19000] =	vst v63  }
0x14d: {  	_ =	swait.ge [sflag:s21], $0x6400  }
0x14e: {  	[sflag:s21] =	ssyncset.done $0x0  }
0x14f: {  	s31 =	rddreg [dreg:$0xa];
	[sflag:s21] =	ssyncadd.s32 $0xFFFF9C00  }
0x150: {  	[hbm4b:s31+s2] =	stream.linear.scatter [tilespmem:s20], [sflag:$0x8], $0x6400, $0x38;
	[tilespmem:$0x19000] =	vst v63  }
0x151: {  	_ =	swait.ge [sflag:s7], $0x6400  }
0x152: {  	[sflag:s7] =	ssyncset.done $0x0  }
0x153: {  	s1 =	rddreg [dreg:$0xb];
	[sflag:s7] =	ssyncadd.s32 $0xFFFF9C00  }
0x154: {  	[tilespmem:s12], [sflag:$0x2] =	stream.linear.gather [hbm4b:s1+s2], $0x6400, $0x38;
	[tilespmem:$0x19000] =	vst v63  }
0x155: {  	_ =	swait.ge [sflag:s19], $0x6400  }
0x156: {  	[sflag:s19] =	ssyncset.done $0x0  }
0x157: {  	s24 =	rddreg [dreg:$0xc];
	[sflag:s19] =	ssyncadd.s32 $0xFFFF9C00  }
0x158: {  	[hbm4b:s24+s2] =	stream.linear.scatter [tilespmem:s2], [sflag:$0x5], $0x6400, $0x38;
	[tilespmem:$0x19000] =	vst v63  }
0x159: {  	_ =	swait.ge [sflag:s5], $0x6400  }
0x15a: {  	[sflag:s5] =	ssyncset.done $0x0  }
0x15b: {  	s26 =	rddreg [dreg:$0xd];
	[sflag:s5] =	ssyncadd.s32 $0xFFFF9C00  }
0x15c: {  	[tilespmem:s17], [sflag:$0x3] =	stream.linear.gather [hbm4b:s26+s2], $0x6400, $0x38;
	[tilespmem:$0x19000] =	vst v63  }
0x15d: {  	_ =	swait.ge [sflag:s15], $0x6400  }
0x15e: {  	[sflag:s15] =	ssyncset.done $0x0  }
0x15f: {  	s28 =	rddreg [dreg:$0xe];
	[sflag:s15] =	ssyncadd.s32 $0xFFFF9C00  }
0x160: {  	[hbm4b:s28+s2] =	stream.linear.scatter [tilespmem:s12], [sflag:$0x6], $0x6400, $0x38;
	[tilespmem:$0x19000] =	vst v63  }
0x161: {  	_ =	swait.ge [sflag:s18], $0x6400  }
0x162: {  	[sflag:s18] =	ssyncset.done $0x0  }
0x163: {  	s29 =	rddreg [dreg:$0xf];
	[sflag:s18] =	ssyncadd.s32 $0xFFFF9C00  }
0x164: {  	[tilespmem:s20], [sflag:$0x4] =	stream.linear.gather [hbm4b:s29+s2], $0x6400, $0x38;
	[tilespmem:$0x19000] =	vst v63  }
0x165: {  	_ =	swait.ge [sflag:s22], $0x6400  }
0x166: {  	[sflag:s22] =	ssyncset.done $0x0  }
0x167: {  	s30 =	rddreg [dreg:$0x10];
	[sflag:s22] =	ssyncadd.s32 $0xFFFF9C00  }
0x168: {  	[hbm4b:s30+s2] =	stream.linear.scatter [tilespmem:s17], [sflag:$0x7], $0x6400, $0x38;
	[tilespmem:$0x19000] =	vst v63  }
0x169: {  	_ =	swait.ge [sflag:s6], $0x6400  }
0x16a: {  	[sflag:s6] =	ssyncset.done $0x0  }
0x16b: {  	s31 =	rddreg [dreg:$0x11];
	[sflag:s6] =	ssyncadd.s32 $0xFFFF9C00  }
0x16c: {  	[tilespmem:s2], [sflag:$0x1] =	stream.linear.gather [hbm4b:s31+s2], $0x6400, $0x38;
	[tilespmem:$0x19000] =	vst v63  }
0x16d: {  	_ =	swait.ge [sflag:s21], $0x6400  }
0x16e: {  	[sflag:s21] =	ssyncset.done $0x0  }
0x16f: {  	s1 =	rddreg [dreg:$0x12];
	[sflag:s21] =	ssyncadd.s32 $0xFFFF9C00  }
0x170: {  	[hbm4b:s1+s2] =	stream.linear.scatter [tilespmem:s20], [sflag:$0x8], $0x6400, $0x38;
	[tilespmem:$0x19000] =	vst v63  }
0x171: {  	_ =	swait.ge [sflag:s7], $0x6400  }
0x172: {  	[sflag:s7] =	ssyncset.done $0x0  }
0x173: {  	s24 =	rddreg [dreg:$0x13];
	[sflag:s7] =	ssyncadd.s32 $0xFFFF9C00  }
0x174: {  	[tilespmem:s12], [sflag:$0x2] =	stream.linear.gather [hbm4b:s24+s2], $0x6400, $0x38;
	[tilespmem:$0x19000] =	vst v63  }
0x175: {  	_ =	swait.ge [sflag:s19], $0x6400  }
0x176: {  	[sflag:s19] =	ssyncset.done $0x0  }
0x177: {  	s26 =	rddreg [dreg:$0x14];
	[sflag:s19] =	ssyncadd.s32 $0xFFFF9C00  }
0x178: {  	[hbm4b:s26+s2] =	stream.linear.scatter [tilespmem:s2], [sflag:$0x5], $0x6400, $0x38;
	[tilespmem:$0x19000] =	vst v63  }
0x179: {  	_ =	swait.ge [sflag:s5], $0x6400  }
0x17a: {  	[sflag:s5] =	ssyncset.done $0x0  }
0x17b: {  	s28 =	rddreg [dreg:$0x15];
	[sflag:s5] =	ssyncadd.s32 $0xFFFF9C00  }
0x17c: {  	[tilespmem:s17], [sflag:$0x3] =	stream.linear.gather [hbm4b:s28+s2], $0x6400, $0x38;
	[tilespmem:$0x19000] =	vst v63  }
0x17d: {  	_ =	swait.ge [sflag:s15], $0x6400  }
0x17e: {  	[sflag:s15] =	ssyncset.done $0x0  }
0x17f: {  	s29 =	rddreg [dreg:$0x16];
	[sflag:s15] =	ssyncadd.s32 $0xFFFF9C00  }
0x180: {  	[hbm4b:s29+s2] =	stream.linear.scatter [tilespmem:s12], [sflag:$0x6], $0x6400, $0x38;
	[tilespmem:$0x19000] =	vst v63  }
0x181: {  	_ =	swait.ge [sflag:s18], $0x6400  }
0x182: {  	[sflag:s18] =	ssyncset.done $0x0  }
0x183: {  	s30 =	rddreg [dreg:$0x17];
	[sflag:s18] =	ssyncadd.s32 $0xFFFF9C00  }
0x184: {  	[tilespmem:s20], [sflag:$0x4] =	stream.linear.gather [hbm4b:s30+s2], $0x6400, $0x38;
	[tilespmem:$0x19000] =	vst v63  }
0x185: {  	_ =	swait.ge [sflag:s22], $0x6400  }
0x186: {  	[sflag:s22] =	ssyncset.done $0x0  }
0x187: {  	s31 =	rddreg [dreg:$0x18];
	[sflag:s22] =	ssyncadd.s32 $0xFFFF9C00  }
0x188: {  	[hbm4b:s31+s2] =	stream.linear.scatter [tilespmem:s17], [sflag:$0x7], $0x6400, $0x38;
	[tilespmem:$0x19000] =	vst v63  }
0x189: {  	_ =	swait.ge [sflag:s6], $0x6400  }
0x18a: {  	[sflag:s6] =	ssyncset.done $0x0  }
0x18b: {  	[sflag:s6] =	ssyncadd.s32 $0xFFFF9C00  }
0x18c: {  	[tilespmem:s2], [sflag:$0x1] =	stream.linear.gather [hbm4b:s16+s2], $0x6400, $0x38;
	[tilespmem:$0x19000] =	vst v63  }
0x18d: {  	_ =	swait.ge [sflag:s21], $0x6400  }
0x18e: {  	[sflag:s21] =	ssyncset.done $0x0  }
0x18f: {  	[sflag:s21] =	ssyncadd.s32 $0xFFFF9C00  }
0x190: {  	[hbm4b:s14+s2] =	stream.linear.scatter [tilespmem:s20], [sflag:$0x8], $0x6400, $0x38;
	[tilespmem:$0x19000] =	vst v63  }
0x191: {  	_ =	swait.ge [sflag:s7], $0x6400  }
0x192: {  	[sflag:s7] =	ssyncset.done $0x0  }
0x193: {  	[sflag:s7] =	ssyncadd.s32 $0xFFFF9C00  }
0x194: {  	[tilespmem:s12], [sflag:$0x2] =	stream.linear.gather [hbm4b:s13+s2], $0x6400, $0x38;
	[tilespmem:$0x19000] =	vst v63  }
0x195: {  	_ =	swait.ge [sflag:s19], $0x6400  }
0x196: {  	[sflag:s19] =	ssyncset.done $0x0  }
0x197: {  	[sflag:s19] =	ssyncadd.s32 $0xFFFF9C00  }
0x198: {  	[hbm4b:s11+s2] =	stream.linear.scatter [tilespmem:s2], [sflag:$0x5], $0x6400, $0x38;
	[tilespmem:$0x19000] =	vst v63  }
0x199: {  	_ =	swait.ge [sflag:s5], $0x6400  }
0x19a: {  	[sflag:s5] =	ssyncset.done $0x0  }
0x19b: {  	[sflag:s5] =	ssyncadd.s32 $0xFFFF9C00  }
0x19c: {  	[tilespmem:s17], [sflag:$0x3] =	stream.linear.gather [hbm4b:s10+s2], $0x6400, $0x38;
	[tilespmem:$0x19000] =	vst v63  }
0x19d: {  	_ =	swait.ge [sflag:s15], $0x6400  }
0x19e: {  	[sflag:s15] =	ssyncset.done $0x0  }
0x19f: {  	[sflag:s15] =	ssyncadd.s32 $0xFFFF9C00  }
0x1a0: {  	[hbm4b:s9+s2] =	stream.linear.scatter [tilespmem:s12], [sflag:$0x6], $0x6400, $0x38;
	[tilespmem:$0x19000] =	vst v63  }
0x1a1: {  	_ =	swait.ge [sflag:s18], $0x6400  }
0x1a2: {  	[sflag:s18] =	ssyncset.done $0x0  }
0x1a3: {  	s0 =	simm.s32 @p0 $0x3;
	[sflag:s18] =	ssyncadd.s32 $0xFFFF9C00  }
0x1a4: {  	_ =	swait.ge @p0 [sflag:s0], $0x6400  }
0x1a5: {  	[sflag:s0] =	ssyncset.done @p0 $0x0  }
0x1a6: {  	s1 =	simm.s32 @p0 $0xC800;
	[sflag:s0] =	ssyncadd.s32 @p0 $0xFFFF9C00;
	s0 =	simm.s32 @p0 $0x0  }
0x1a7: {  	[hbm4b:s4+s0] =	stream.linear.scatter @p0 [tilespmem:s1], [sflag:$0x7], $0x6400, $0x38;
	[tilespmem:$0x19000] =	vst v63  }
0x1a8: {  	s2 =	simm.s32 @!p0 $0x3;
	s0 =	simm.s32 @!p0 $0x0;
	s1 =	simm.s32 @!p0 $0x12C00  }
0x1a9: {  	[tilespmem:s1], [sflag:$0x4] =	stream.linear.gather @!p0 [hbm4b:s8+s0], $0x6400, $0x38;
	[tilespmem:$0x19000] =	vst v63  }
0x1aa: {  	_ =	swait.ge @!p0 [sflag:s2], $0x6400  }
0x1ab: {  	[sflag:s2] =	ssyncset.done @!p0 $0x0  }
0x1ac: {  	s8 =	simm.s32 @!p0 $0x4;
	[sflag:s2] =	ssyncadd.s32 @!p0 $0xFFFF9C00;
	s2 =	simm.s32 @!p0 $0xC800  }
0x1ad: {  	[hbm4b:s4+s0] =	stream.linear.scatter @!p0 [tilespmem:s2], [sflag:$0x7], $0x6400, $0x38;
	[tilespmem:$0x19000] =	vst v63  }
0x1ae: {  	_ =	swait.ge @!p0 [sflag:s8], $0x6400  }
0x1af: {  	[sflag:s8] =	ssyncset.done @!p0 $0x0  }
0x1b0: {  	[sflag:s8] =	ssyncadd.s32 @!p0 $0xFFFF9C00  }
0x1b1: {  	[hbm4b:s3+s0] =	stream.linear.scatter @!p0 [tilespmem:s1], [sflag:$0x8], $0x6400, $0x38;
	[tilespmem:$0x19000] =	vst v63  }
0x1b2: {  	_ =	swait.ge [sflag:s6], $0x6400  }
0x1b3: {  	[sflag:s6] =	ssyncset.done $0x0  }
0x1b4: {  	[sflag:s6] =	ssyncadd.s32 $0xFFFF9C00  }
0x1b5: {  	_ =	swait.ge [sflag:s7], $0x6400  }
0x1b6: {  	[sflag:s7] =	ssyncset.done $0x0  }
0x1b7: {  	[sflag:s7] =	ssyncadd.s32 $0xFFFF9C00  }
0x1b8: {  	_ =	swait.ge [sflag:s5], $0x6400  }
0x1b9: {  	[sflag:s5] =	ssyncset.done $0x0  }
0x1ba: {  	s0 =	simm.s32 @!p0 $0x8;
	[sflag:s5] =	ssyncadd.s32 $0xFFFF9C00  }
0x1bb: {  	_ =	swait.ge @!p0 [sflag:s0], $0x6400  }
0x1bc: {  	[sflag:s0] =	ssyncset.done @!p0 $0x0  }
0x1bd: {  	[sflag:s0] =	ssyncadd.s32 @!p0 $0xFFFF9C00  }
0x1be: {  	_ =	sfence.sel $0x180000  }
0x1bf: {  	[bflag:$0x0] =	sbarrier.arrive $0xFFFF  }
0x1c0: {  	p0 =	sne.s32 s23, $0x0;
	_ =	strace $0x90000047  }
0x1c1: {  	s0 =	sadd.s32 @!p0 $0x100000, s25;
	[bflag:$0x2] =	sbarrier.arrive $0xFFFF  }
0x1c2: {  	[sflag:s0] =	ssyncadd.tile.s32 @!p0 $0x1;
	_ =	shalt  }
.LBB2_1:
.Ltmp3:
0x1c3: {  	(pc) =	sbr.rel .LBB2_6-.Ltmp3, $2  }
0x1c4: {  	_ =	sdelay $0x2  }
0x1c5: {  	_ = 	snop  }
.LBB2_3:
.Ltmp4:
0x1c6: {  	(pc) =	sbr.rel .LBB2_6-.Ltmp4, $2  }
0x1c7: {  	_ =	sdelay $0x2  }
0x1c8: {  	s23 =	stileid.u32;
	s25 =	rddreg [dreg:$0x1]  }
.Lfunc_end2:
_tile_overlayer_lowered:
.L_overlay_start_2:
0x1c9: {  	(tag) =	ssettag $0x2  }
0x1ca: {  	s0 =	rddreg [dreg:$0x0];
	s2 =	stileid.u32  }
0x1cb: {  	s1 =	rddreg [dreg:$0x1];
	p0 =	sne.s32 s2, $0x0  }
0x1cc: {  	s3 =	rddreg [dreg:$0x2];
	[bflag:$0x3] =	sbarrier.arrive $0xFFFF;
	s2 =	simm.s32 @!p0 $0x1C09  }
0x1cd: {  	[timem:s3], [sflag:s2] =	dma.local @!p0 [hbm:s0], s1  }
0x1ce: {  	s0 =	simm.s32 @!p0 $0x9  }
0x1cf: {  	_ =	swait.ge @!p0 [sflag:s0], s1  }
0x1d0: {  	s1 =	ssub.s32 @!p0 $0x0, s1;
	[sflag:s0] =	ssyncset.done @!p0 $0x0  }
0x1d1: {  	[sflag:s0] =	ssyncadd.s32 @!p0 s1  }
0x1d2: {  	[bflag:$0x3] =	sbarrier.arrive $0xFFFF  }
0x1d3: {  	_ =	shalt  }

</sc_bundles>
